<compile_context>
chip_gen: v7x
topology: tpu7x:2x2x1
jax: 0.10.2.dev20260603
libtpu: 0.0.44.dev20260713+nightly
codegen_flags: <defaults>
</compile_context>

<pallas_src>
import jax
import jax.numpy as jnp
from jax.experimental import pallas as pl
from jax.experimental.pallas import tpu as pltpu
from jax.experimental.pallas import tpu_sc as plsc

_B, _S, _D = 4, 8192, 1024
_NUM_TYPES = 8
_TC_BLOCK = 2048
_TC_ROWS = 28672
_SC_ROWS = _B * _S - _TC_ROWS
_BM = 8
_LANES = 16


def _tc_add_kernel(idx_ref, table_ref, x_ref, o_ref):
    row = table_ref[pl.ds(idx_ref[0], 1), :]
    o_ref[...] = x_ref[...] + row


def _tc_add(idx, table, xf):
    return pl.pallas_call(
        _tc_add_kernel,
        grid_spec=pltpu.PrefetchScalarGridSpec(
            num_scalar_prefetch=1,
            grid=(_TC_ROWS // _TC_BLOCK,),
            in_specs=[
                pl.BlockSpec((_NUM_TYPES, _D), lambda i, idx: (0, 0)),
                pl.BlockSpec((_TC_BLOCK, _D), lambda i, idx: (i, 0)),
            ],
            out_specs=pl.BlockSpec((_TC_BLOCK, _D), lambda i, idx: (i, 0)),
        ),
        out_shape=jax.ShapeDtypeStruct((_TC_ROWS, _D), jnp.float32),
        compiler_params=pltpu.CompilerParams(
            dimension_semantics=("parallel",),
        ),
    )(idx, table, xf)


def _sc_add(idx, table, xf):
    mesh = plsc.VectorSubcoreMesh(core_axis_name="core",
                                  subcore_axis_name="subcore")

    @pl.kernel(
        out_type=jax.ShapeDtypeStruct((_SC_ROWS, _D), jnp.float32),
        mesh=mesh,
        scratch_types=[
            pltpu.VMEM((1, 1), jnp.int32),
            pltpu.VMEM((1, _D), jnp.float32),
        ],
    )
    def sc_kernel(idx_hbm, table_hbm, x_hbm, o_hbm, idx_vmem, row_vmem):
        pltpu.sync_copy(idx_hbm, idx_vmem)
        pltpu.sync_copy(table_hbm.at[idx_vmem.at[0]], row_vmem)

        def body(in_vmem, out_vmem):
            @pl.loop(0, _BM)
            def _(c0):
                @pl.loop(0, _D, step=_LANES)
                def _(c1):
                    slc = (pl.ds(c0, 1), pl.ds(c1, _LANES))
                    out_vmem.at[*slc][...] = (
                        in_vmem.at[*slc][...]
                        + row_vmem.at[pl.ds(0, 1), pl.ds(c1, _LANES)][...]
                    )

        pltpu.emit_pipeline(
            body,
            grid=(_SC_ROWS // _BM,),
            in_specs=[pl.BlockSpec((_BM, _D),
                                   index_map=lambda i: (i + _TC_ROWS // _BM, 0))],
            out_specs=[pl.BlockSpec((_BM, _D), index_map=lambda i: (i, 0))],
            core_axis_name=("core", "subcore"),
            dimension_semantics=(pltpu.PARALLEL,),
        )(x_hbm, o_hbm)

    return sc_kernel(idx, table, xf)


def kernel(x, type_id, type_embedding):
    xf = x.reshape(_B * _S, _D)
    idx = jnp.asarray(type_id, jnp.int32).reshape(1)
    tc_out = _tc_add(idx, type_embedding, xf)
    sc_out = _sc_add(idx.reshape(1, 1), type_embedding, xf)
    out = jnp.concatenate([tc_out, sc_out], axis=0)
    return out.reshape(_B, _S, _D)

# --- scband reference (transcript-rebuilt; emitter-appended) ---
"""Pipeline reference for scband-type-embedder-52510270161196 (READ-ONLY COPY).

The authoritative reference and input builder live on the scoring server;
editing this copy changes nothing except your own understanding.
"""

import jax, jax.numpy as jnp
import numpy as np

NUM_TYPES = 8
EMB_DIM = 1024
B, S, D = 4, 8192, 1024

def setup_inputs(seed: int = 0) -> dict:
    key = jax.random.key(seed)
    kx, kt = jax.random.split(key)
    x = jax.random.normal(kx, (B, S, D), dtype=jnp.float32)
    type_embedding = jax.random.normal(kt, (NUM_TYPES, EMB_DIM), dtype=jnp.float32) * 0.02
    type_id = 3
    return {"x": x, "type_id": type_id, "type_embedding": type_embedding}

def reference(x, type_id, type_embedding):
    # type_emb = embedding(type_id) -> [D]; unsqueeze(0).unsqueeze(0) -> [1,1,D]; broadcast add
    type_emb = jnp.take(type_embedding, type_id, axis=0)
    return x + type_emb[None, None, :]

if __name__ == "__main__":
    import jax
    _d = setup_inputs()
    print(jax.jit(kernel)(*tuple(_d.values())))

</pallas_src>

<mosaic_0001>
#map = affine_map<(d0, d1) -> (0, 0)>
module attributes {stable_mosaic.version = 14 : i64} {
  func.func @sc_kernel(%arg0: i32, %arg1: i32, %arg2: memref<1x1xi32, #tpu.memory_space<hbm>>, %arg3: memref<8x1024xf32, #tpu.memory_space<hbm>>, %arg4: memref<32768x1024xf32, #tpu.memory_space<hbm>>, %arg5: memref<4096x1024xf32, #tpu.memory_space<hbm>>, %arg6: memref<1x1xi32, #tpu.memory_space<vmem>>, %arg7: memref<1x1024xf32, #tpu.memory_space<vmem>>) attributes {dimension_semantics = [#tpu.dimension_semantics<core_parallel>, #tpu.dimension_semantics<subcore_parallel>], iteration_bounds = array<i64: 2, 16>, scalar_prefetch = 0 : i64, scratch_operands = 2 : i64, tpu.core_type = #tpu.core_type<sc_vector_subcore>, window_params = [{transform_indices = #map}, {transform_indices = #map}, {transform_indices = #map}, {transform_indices = #map}]} {
    "tpu.region"() ({
      %run_scoped3A_7 = tpu.sem_alloc : memref<!tpu.dma_semaphore, #tpu.memory_space<semaphore_mem>>
      tpu.enqueue_dma source(%arg2 : memref<1x1xi32, #tpu.memory_space<hbm>>) target(%arg6 : memref<1x1xi32, #tpu.memory_space<vmem>>) target_semaphore(%run_scoped3A_7 : memref<!tpu.dma_semaphore, #tpu.memory_space<semaphore_mem>>)
      tpu.wait_dma2 semaphore(%run_scoped3A_7 : memref<!tpu.dma_semaphore, #tpu.memory_space<semaphore_mem>>) src(%arg2 : memref<1x1xi32, #tpu.memory_space<hbm>>) dst(%arg6 : memref<1x1xi32, #tpu.memory_space<vmem>>)
      tpu.yield
    }) : () -> ()
    %run_scoped3A = arith.constant 0 : i32
    "tpu.region"() ({
      %run_scoped3A_7 = tpu.sem_alloc : memref<!tpu.dma_semaphore, #tpu.memory_space<semaphore_mem>>
      %dma_start3A = arith.constant 0 : i32
      %dma_start3A_8 = tpu.memref_slice %arg6[%run_scoped3A, %dma_start3A] : memref<1x1xi32, #tpu.memory_space<vmem>> -> memref<1x1xi32, #tpu.memory_space<vmem>>
      %dma_start3A_9 = tpu.memref_squeeze %dma_start3A_8 : memref<1x1xi32, #tpu.memory_space<vmem>> -> memref<1xi32, #tpu.memory_space<vmem>>
      %dma_start3A_10 = arith.constant 0 : i32
      %dma_start3A_11 = arith.constant 0 : i32
      %dma_start3A_12 = tpu.memref_slice %arg3[%dma_start3A_10, %dma_start3A_11] : memref<8x1024xf32, #tpu.memory_space<hbm>> -> memref<8x1024xf32, #tpu.memory_space<hbm>>
      tpu.enqueue_indirect_dma source(%dma_start3A_12 : memref<8x1024xf32, #tpu.memory_space<hbm>>) target(%arg7 : memref<1x1024xf32, #tpu.memory_space<vmem>>) offsets(%dma_start3A_9 : memref<1xi32, #tpu.memory_space<vmem>>) semaphore(%run_scoped3A_7 : memref<!tpu.dma_semaphore, #tpu.memory_space<semaphore_mem>>)
      %dma_wait3A = arith.constant 0 : i32
      %dma_wait3A_13 = tpu.memref_slice %arg6[%run_scoped3A, %dma_wait3A] : memref<1x1xi32, #tpu.memory_space<vmem>> -> memref<1x1xi32, #tpu.memory_space<vmem>>
      %dma_wait3A_14 = tpu.memref_squeeze %dma_wait3A_13 : memref<1x1xi32, #tpu.memory_space<vmem>> -> memref<1xi32, #tpu.memory_space<vmem>>
      %dma_wait3A_15 = arith.constant 0 : i32
      %dma_wait3A_16 = arith.constant 0 : i32
      %dma_wait3A_17 = tpu.memref_slice %arg3[%dma_wait3A_15, %dma_wait3A_16] : memref<8x1024xf32, #tpu.memory_space<hbm>> -> memref<8x1024xf32, #tpu.memory_space<hbm>>
      tpu.wait_indirect_dma semaphore(%run_scoped3A_7 : memref<!tpu.dma_semaphore, #tpu.memory_space<semaphore_mem>>) src(%dma_wait3A_17 : memref<8x1024xf32, #tpu.memory_space<hbm>>) dst(%arg7 : memref<1x1024xf32, #tpu.memory_space<vmem>>)
      tpu.yield
    }) : () -> ()
    %mul3A = arith.constant 1 : i32
    %mul3A_0 = arith.muli %arg1, %mul3A : i32
    %add3A = arith.constant 0 : i32
    %add3A_1 = arith.addi %add3A, %mul3A_0 : i32
    %mul3A_2 = arith.constant 16 : i32
    %mul3A_3 = arith.muli %arg0, %mul3A_2 : i32
    %add3A_4 = arith.addi %add3A_1, %mul3A_3 : i32
    %mul3A_5 = arith.constant 16 : i32
    %mul3A_6 = arith.muli %add3A_4, %mul3A_5 : i32
    "tpu.region"() ({
      %run_scoped3A_7 = memref.alloca() : memref<2x8x1024xf32, #tpu.memory_space<vmem>>
      %run_scoped3A_8 = tpu.sem_alloc : memref<2x!tpu.dma_semaphore, #tpu.memory_space<semaphore_mem>>
      %run_scoped3A_9 = memref.alloca() : memref<2x8x1024xf32, #tpu.memory_space<vmem>>
      %run_scoped3A_10 = tpu.sem_alloc : memref<2x!tpu.dma_semaphore, #tpu.memory_space<semaphore_mem>>
      %add3A_11 = arith.constant 0 : i32
      %add3A_12 = arith.addi %add3A_11, %mul3A_6 : i32
      %select_n3A = arith.constant true
      %select_n3A_13 = arith.constant 0 : i32
      %select_n3A_14 = arith.constant -1 : i32
      %select_n3A_15 = arith.select %select_n3A, %select_n3A_14, %select_n3A_13 : i32
      %eq3A = arith.constant -1 : i32
      %eq3A_16 = arith.cmpi eq, %select_n3A_15, %eq3A : i32
      %select_n3A_17 = arith.constant 15 : i32
      %select_n3A_18 = arith.select %eq3A_16, %select_n3A_17, %select_n3A_15 : i32
      %add3A_19 = arith.addi %select_n3A_18, %mul3A_6 : i32
      %select_n3A_20 = arith.constant true
      %select_n3A_21 = arith.constant 0 : i32
      %select_n3A_22 = arith.constant 1 : i32
      %select_n3A_23 = arith.select %select_n3A_20, %select_n3A_22, %select_n3A_21 : i32
      %eq3A_24 = arith.constant 16 : i32
      %eq3A_25 = arith.cmpi eq, %select_n3A_23, %eq3A_24 : i32
      %select_n3A_26 = arith.constant 0 : i32
      %select_n3A_27 = arith.select %eq3A_25, %select_n3A_26, %select_n3A_23 : i32
      %add3A_28 = arith.addi %select_n3A_27, %mul3A_6 : i32
      %add3A_29 = arith.constant 1 : i32
      %add3A_30 = arith.addi %select_n3A_27, %add3A_29 : i32
      %select_n3A_31 = arith.constant true
      %select_n3A_32 = arith.select %select_n3A_31, %add3A_30, %select_n3A_27 : i32
      %eq3A_33 = arith.constant 16 : i32
      %eq3A_34 = arith.cmpi eq, %select_n3A_32, %eq3A_33 : i32
      %select_n3A_35 = arith.constant 0 : i32
      %select_n3A_36 = arith.select %eq3A_34, %select_n3A_35, %select_n3A_32 : i32
      %add3A_37 = arith.addi %select_n3A_36, %mul3A_6 : i32
      "tpu.trace_start"() <{level = 10 : i32, message = "ep_initialize_0"}> : () -> ()
      %rem3A = arith.constant 0 : i32
      %rem3A_38 = arith.constant 2 : i32
      %rem3A_39 = arith.remui %rem3A, %rem3A_38 : i32
      %add3A_40 = arith.constant 3584 : i32
      %add3A_41 = arith.addi %add3A_12, %add3A_40 : i32
      %mul3A_42 = arith.constant 8 : i32
      %mul3A_43 = arith.muli %mul3A_42, %add3A_41 : i32
      %dma_start3A = arith.constant 0 : i32
      %dma_start3A_44 = arith.constant 0 : i32
      %dma_start3A_45 = tpu.memref_slice %run_scoped3A_7[%rem3A_39, %dma_start3A, %dma_start3A_44] : memref<2x8x1024xf32, #tpu.memory_space<vmem>> -> memref<1x8x1024xf32, #tpu.memory_space<vmem>>
      %dma_start3A_46 = tpu.memref_squeeze %dma_start3A_45 : memref<1x8x1024xf32, #tpu.memory_space<vmem>> -> memref<8x1024xf32, #tpu.memory_space<vmem>>
      %dma_start3A_47 = arith.constant 0 : i32
      %dma_start3A_48 = tpu.memref_slice %arg4[%mul3A_43, %dma_start3A_47] : memref<32768x1024xf32, #tpu.memory_space<hbm>> -> memref<8x1024xf32, #tpu.memory_space<hbm>>
      %dma_start3A_49 = tpu.memref_slice %run_scoped3A_8[%rem3A_39] : memref<2x!tpu.dma_semaphore, #tpu.memory_space<semaphore_mem>> -> memref<1x!tpu.dma_semaphore, #tpu.memory_space<semaphore_mem>>
      %dma_start3A_50 = tpu.memref_squeeze %dma_start3A_49 : memref<1x!tpu.dma_semaphore, #tpu.memory_space<semaphore_mem>> -> memref<!tpu.dma_semaphore, #tpu.memory_space<semaphore_mem>>
      %dma_start3A_51 = arith.constant 0 : i32
      %dma_start3A_52 = arith.constant 0 : i32
      %dma_start3A_53 = tpu.memref_slice %run_scoped3A_7[%rem3A_39, %dma_start3A_51, %dma_start3A_52] : memref<2x8x1024xf32, #tpu.memory_space<vmem>> -> memref<1x8x1024xf32, #tpu.memory_space<vmem>>
      %dma_start3A_54 = tpu.memref_squeeze %dma_start3A_53 : memref<1x8x1024xf32, #tpu.memory_space<vmem>> -> memref<8x1024xf32, #tpu.memory_space<vmem>>
      %dma_start3A_55 = arith.constant 0 : i32
      %dma_start3A_56 = tpu.memref_slice %arg4[%mul3A_43, %dma_start3A_55] : memref<32768x1024xf32, #tpu.memory_space<hbm>> -> memref<8x1024xf32, #tpu.memory_space<hbm>>
      tpu.enqueue_dma source(%dma_start3A_56 : memref<8x1024xf32, #tpu.memory_space<hbm>>) target(%dma_start3A_54 : memref<8x1024xf32, #tpu.memory_space<vmem>>) target_semaphore(%dma_start3A_50 : memref<!tpu.dma_semaphore, #tpu.memory_space<semaphore_mem>>)
      %add3A_57 = arith.constant 0 : i32
      %add3A_58 = arith.constant 1 : i32
      %add3A_59 = arith.addi %add3A_57, %add3A_58 : i32
      %select_n3A_60 = arith.constant true
      %select_n3A_61 = arith.constant 0 : i32
      %select_n3A_62 = arith.select %select_n3A_60, %add3A_59, %select_n3A_61 : i32
      "tpu.trace_stop"() : () -> ()
      %scan3A = arith.constant 0 : i32
      %scan3A_63 = arith.constant 0 : i32
      %scan3A_64 = arith.constant 0 : i32
      %scan3A_65 = arith.constant 0 : i32
      %scan3A_66 = arith.constant 0 : i32
      %scan3A_67 = arith.constant 16 : i32
      %scan3A_68 = arith.addi %scan3A_66, %scan3A_67 : i32
      %scan3A_69 = arith.constant 1 : i32
      %scan3A_70:5 = scf.for %scan3A_124 = %scan3A_66 to %scan3A_68 step %scan3A_69 iter_args(%scan3A_125 = %select_n3A_62, %scan3A_126 = %scan3A, %scan3A_127 = %scan3A_63, %scan3A_128 = %scan3A_64, %scan3A_129 = %scan3A_65) -> (i32, i32, i32, i32, i32)  : i32 {
        %eq3A_130 = arith.constant 0 : i32
        %eq3A_131 = arith.cmpi eq, %scan3A_124, %eq3A_130 : i32
        %eq3A_132 = arith.constant 15 : i32
        %eq3A_133 = arith.cmpi eq, %scan3A_124, %eq3A_132 : i32
        %add3A_134 = arith.addi %scan3A_129, %mul3A_6 : i32
        %sub3A_135 = arith.constant 1 : i32
        %sub3A_136 = arith.subi %scan3A_129, %sub3A_135 : i32
        %select_n3A_137 = arith.constant true
        %select_n3A_138 = arith.select %select_n3A_137, %sub3A_136, %scan3A_129 : i32
        %eq3A_139 = arith.constant -1 : i32
        %eq3A_140 = arith.cmpi eq, %select_n3A_138, %eq3A_139 : i32
        %select_n3A_141 = arith.constant 15 : i32
        %select_n3A_142 = arith.select %eq3A_140, %select_n3A_141, %select_n3A_138 : i32
        %add3A_143 = arith.addi %select_n3A_142, %mul3A_6 : i32
        %add3A_144 = arith.constant 1 : i32
        %add3A_145 = arith.addi %scan3A_129, %add3A_144 : i32
        %select_n3A_146 = arith.constant true
        %select_n3A_147 = arith.select %select_n3A_146, %add3A_145, %scan3A_129 : i32
        %eq3A_148 = arith.constant 16 : i32
        %eq3A_149 = arith.cmpi eq, %select_n3A_147, %eq3A_148 : i32
        %select_n3A_150 = arith.constant 0 : i32
        %select_n3A_151 = arith.select %eq3A_149, %select_n3A_150, %select_n3A_147 : i32
        %add3A_152 = arith.addi %select_n3A_151, %mul3A_6 : i32
        %add3A_153 = arith.constant 1 : i32
        %add3A_154 = arith.addi %select_n3A_151, %add3A_153 : i32
        %select_n3A_155 = arith.constant true
        %select_n3A_156 = arith.select %select_n3A_155, %add3A_154, %select_n3A_151 : i32
        %eq3A_157 = arith.constant 16 : i32
        %eq3A_158 = arith.cmpi eq, %select_n3A_156, %eq3A_157 : i32
        %select_n3A_159 = arith.constant 0 : i32
        %select_n3A_160 = arith.select %eq3A_158, %select_n3A_159, %select_n3A_156 : i32
        %add3A_161 = arith.addi %select_n3A_160, %mul3A_6 : i32
        %add3A_162 = arith.constant 3584 : i32
        %add3A_163 = arith.addi %add3A_134, %add3A_162 : i32
        %add3A_164 = arith.constant 3584 : i32
        %add3A_165 = arith.addi %add3A_152, %add3A_164 : i32
        %ne3A = arith.cmpi ne, %add3A_163, %add3A_165 : i32
        %or3A = arith.constant false
        %or3A_166 = arith.ori %or3A, %ne3A : i1
        %or3A_167 = arith.constant false
        %or3A_168 = arith.ori %or3A_166, %or3A_167 : i1
        %ge3A = arith.constant 15 : i32
        %ge3A_169 = arith.cmpi sge, %scan3A_124, %ge3A : i32
        %not3A = arith.constant true
        %not3A_170 = arith.xori %ge3A_169, %not3A : i1
        %and3A = arith.andi %or3A_168, %not3A_170 : i1
        %convert_element_type3A = arith.extui %and3A : i1 to i32
        %cond3A = arith.constant 0 : i32
        %cond3A_171 = arith.cmpi ne, %convert_element_type3A, %cond3A : i32
        scf.if %cond3A_171 {
          "tpu.trace_start"() <{level = 10 : i32, message = "ep_copy_in"}> : () -> ()
          %rem3A_301 = arith.constant 2 : i32
          %rem3A_302 = arith.remui %scan3A_125, %rem3A_301 : i32
          %add3A_303 = arith.constant 3584 : i32
          %add3A_304 = arith.addi %add3A_152, %add3A_303 : i32
          %mul3A_305 = arith.constant 8 : i32
          %mul3A_306 = arith.muli %mul3A_305, %add3A_304 : i32
          %dma_start3A_307 = arith.constant 0 : i32
          %dma_start3A_308 = arith.constant 0 : i32
          %dma_start3A_309 = tpu.memref_slice %run_scoped3A_7[%rem3A_302, %dma_start3A_307, %dma_start3A_308] : memref<2x8x1024xf32, #tpu.memory_space<vmem>> -> memref<1x8x1024xf32, #tpu.memory_space<vmem>>
          %dma_start3A_310 = tpu.memref_squeeze %dma_start3A_309 : memref<1x8x1024xf32, #tpu.memory_space<vmem>> -> memref<8x1024xf32, #tpu.memory_space<vmem>>
          %dma_start3A_311 = arith.constant 0 : i32
          %dma_start3A_312 = tpu.memref_slice %arg4[%mul3A_306, %dma_start3A_311] : memref<32768x1024xf32, #tpu.memory_space<hbm>> -> memref<8x1024xf32, #tpu.memory_space<hbm>>
          %dma_start3A_313 = tpu.memref_slice %run_scoped3A_8[%rem3A_302] : memref<2x!tpu.dma_semaphore, #tpu.memory_space<semaphore_mem>> -> memref<1x!tpu.dma_semaphore, #tpu.memory_space<semaphore_mem>>
          %dma_start3A_314 = tpu.memref_squeeze %dma_start3A_313 : memref<1x!tpu.dma_semaphore, #tpu.memory_space<semaphore_mem>> -> memref<!tpu.dma_semaphore, #tpu.memory_space<semaphore_mem>>
          %dma_start3A_315 = arith.constant 0 : i32
          %dma_start3A_316 = arith.constant 0 : i32
          %dma_start3A_317 = tpu.memref_slice %run_scoped3A_7[%rem3A_302, %dma_start3A_315, %dma_start3A_316] : memref<2x8x1024xf32, #tpu.memory_space<vmem>> -> memref<1x8x1024xf32, #tpu.memory_space<vmem>>
          %dma_start3A_318 = tpu.memref_squeeze %dma_start3A_317 : memref<1x8x1024xf32, #tpu.memory_space<vmem>> -> memref<8x1024xf32, #tpu.memory_space<vmem>>
          %dma_start3A_319 = arith.constant 0 : i32
          %dma_start3A_320 = tpu.memref_slice %arg4[%mul3A_306, %dma_start3A_319] : memref<32768x1024xf32, #tpu.memory_space<hbm>> -> memref<8x1024xf32, #tpu.memory_space<hbm>>
          tpu.enqueue_dma source(%dma_start3A_320 : memref<8x1024xf32, #tpu.memory_space<hbm>>) target(%dma_start3A_318 : memref<8x1024xf32, #tpu.memory_space<vmem>>) target_semaphore(%dma_start3A_314 : memref<!tpu.dma_semaphore, #tpu.memory_space<semaphore_mem>>)
          "tpu.trace_stop"() : () -> ()
        } else {
        }
        %and3A_172 = arith.constant true
        %and3A_173 = arith.andi %and3A, %and3A_172 : i1
        %add3A_174 = arith.constant 1 : i32
        %add3A_175 = arith.addi %scan3A_125, %add3A_174 : i32
        %select_n3A_176 = arith.select %and3A_173, %add3A_175, %scan3A_125 : i32
        %ne3A_177 = arith.cmpi ne, %add3A_134, %add3A_152 : i32
        %or3A_178 = arith.constant false
        %or3A_179 = arith.ori %or3A_178, %ne3A_177 : i1
        %or3A_180 = arith.constant false
        %or3A_181 = arith.ori %or3A_179, %or3A_180 : i1
        %ge3A_182 = arith.constant 15 : i32
        %ge3A_183 = arith.cmpi sge, %scan3A_124, %ge3A_182 : i32
        %not3A_184 = arith.constant true
        %not3A_185 = arith.xori %ge3A_183, %not3A_184 : i1
        %and3A_186 = arith.andi %or3A_181, %not3A_185 : i1
        %add3A_187 = arith.constant 3584 : i32
        %add3A_188 = arith.addi %add3A_134, %add3A_187 : i32
        %add3A_189 = arith.constant 3584 : i32
        %add3A_190 = arith.addi %add3A_143, %add3A_189 : i32
        %ne3A_191 = arith.cmpi ne, %add3A_188, %add3A_190 : i32
        %or3A_192 = arith.constant false
        %or3A_193 = arith.ori %or3A_192, %ne3A_191 : i1
        %or3A_194 = arith.constant false
        %or3A_195 = arith.ori %or3A_193, %or3A_194 : i1
        %or3A_196 = arith.ori %or3A_195, %eq3A_131 : i1
        %convert_element_type3A_197 = arith.extui %or3A_196 : i1 to i32
        %cond3A_198 = arith.constant 0 : i32
        %cond3A_199 = arith.cmpi ne, %convert_element_type3A_197, %cond3A_198 : i32
        scf.if %cond3A_199 {
          "tpu.trace_start"() <{level = 10 : i32, message = "ep_wait_in"}> : () -> ()
          %add3A_301 = arith.constant 3584 : i32
          %add3A_302 = arith.addi %add3A_134, %add3A_301 : i32
          %mul3A_303 = arith.constant 8 : i32
          %mul3A_304 = arith.muli %mul3A_303, %add3A_302 : i32
          %rem3A_305 = arith.constant 2 : i32
          %rem3A_306 = arith.remui %scan3A_126, %rem3A_305 : i32
          %dma_wait3A_307 = arith.constant 0 : i32
          %dma_wait3A_308 = arith.constant 0 : i32
          %dma_wait3A_309 = tpu.memref_slice %run_scoped3A_7[%rem3A_306, %dma_wait3A_307, %dma_wait3A_308] : memref<2x8x1024xf32, #tpu.memory_space<vmem>> -> memref<1x8x1024xf32, #tpu.memory_space<vmem>>
          %dma_wait3A_310 = tpu.memref_squeeze %dma_wait3A_309 : memref<1x8x1024xf32, #tpu.memory_space<vmem>> -> memref<8x1024xf32, #tpu.memory_space<vmem>>
          %dma_wait3A_311 = arith.constant 0 : i32
          %dma_wait3A_312 = tpu.memref_slice %arg4[%mul3A_304, %dma_wait3A_311] : memref<32768x1024xf32, #tpu.memory_space<hbm>> -> memref<8x1024xf32, #tpu.memory_space<hbm>>
          %dma_wait3A_313 = tpu.memref_slice %run_scoped3A_8[%rem3A_306] : memref<2x!tpu.dma_semaphore, #tpu.memory_space<semaphore_mem>> -> memref<1x!tpu.dma_semaphore, #tpu.memory_space<semaphore_mem>>
          %dma_wait3A_314 = tpu.memref_squeeze %dma_wait3A_313 : memref<1x!tpu.dma_semaphore, #tpu.memory_space<semaphore_mem>> -> memref<!tpu.dma_semaphore, #tpu.memory_space<semaphore_mem>>
          %dma_wait3A_315 = arith.constant 0 : i32
          %dma_wait3A_316 = arith.constant 0 : i32
          %dma_wait3A_317 = tpu.memref_slice %run_scoped3A_7[%rem3A_306, %dma_wait3A_315, %dma_wait3A_316] : memref<2x8x1024xf32, #tpu.memory_space<vmem>> -> memref<1x8x1024xf32, #tpu.memory_space<vmem>>
          %dma_wait3A_318 = tpu.memref_squeeze %dma_wait3A_317 : memref<1x8x1024xf32, #tpu.memory_space<vmem>> -> memref<8x1024xf32, #tpu.memory_space<vmem>>
          %dma_wait3A_319 = arith.constant 0 : i32
          %dma_wait3A_320 = tpu.memref_slice %arg4[%mul3A_304, %dma_wait3A_319] : memref<32768x1024xf32, #tpu.memory_space<hbm>> -> memref<8x1024xf32, #tpu.memory_space<hbm>>
          tpu.wait_dma2 semaphore(%dma_wait3A_314 : memref<!tpu.dma_semaphore, #tpu.memory_space<semaphore_mem>>) src(%dma_wait3A_320 : memref<8x1024xf32, #tpu.memory_space<hbm>>) dst(%dma_wait3A_318 : memref<8x1024xf32, #tpu.memory_space<vmem>>)
          "tpu.trace_stop"() : () -> ()
        } else {
        }
        %ne3A_200 = arith.cmpi ne, %add3A_134, %add3A_143 : i32
        %or3A_201 = arith.constant false
        %or3A_202 = arith.ori %or3A_201, %ne3A_200 : i1
        %or3A_203 = arith.constant false
        %or3A_204 = arith.ori %or3A_202, %or3A_203 : i1
        %or3A_205 = arith.ori %or3A_204, %eq3A_131 : i1
        %convert_element_type3A_206 = arith.extui %or3A_205 : i1 to i32
        %cond3A_207 = arith.constant 0 : i32
        %cond3A_208 = arith.cmpi ne, %convert_element_type3A_206, %cond3A_207 : i32
        scf.if %cond3A_208 {
        } else {
        }
        %rem3A_209 = arith.constant 2 : i32
        %rem3A_210 = arith.remui %scan3A_126, %rem3A_209 : i32
        %rem3A_211 = arith.constant 2 : i32
        %rem3A_212 = arith.remui %scan3A_127, %rem3A_211 : i32
        "tpu.trace_start"() <{level = 10 : i32, message = "ep_run_kernel"}> : () -> ()
        %scan3A_213 = arith.constant 0 : i32
        %scan3A_214 = arith.constant 8 : i32
        %scan3A_215 = arith.addi %scan3A_213, %scan3A_214 : i32
        %scan3A_216 = arith.constant 1 : i32
        scf.for %scan3A_301 = %scan3A_213 to %scan3A_215 step %scan3A_216  : i32 {
          %mul3A_302 = arith.constant 1 : i32
          %mul3A_303 = arith.muli %scan3A_301, %mul3A_302 : i32
          %add3A_304 = arith.constant 0 : i32
          %add3A_305 = arith.addi %add3A_304, %mul3A_303 : i32
          %scan3A_306 = arith.constant 0 : i32
          %scan3A_307 = arith.constant 64 : i32
          %scan3A_308 = arith.addi %scan3A_306, %scan3A_307 : i32
          %scan3A_309 = arith.constant 1 : i32
          scf.for %scan3A_311 = %scan3A_306 to %scan3A_308 step %scan3A_309  : i32 {
            %mul3A_312 = arith.constant 16 : i32
            %mul3A_313 = arith.muli %scan3A_311, %mul3A_312 : i32
            %add3A_314 = arith.constant 0 : i32
            %add3A_315 = arith.addi %add3A_314, %mul3A_313 : i32
            %get3A = arith.constant 0 : i32
            %get3A_316 = arith.constant 0 : i32
            %get3A_317 = tpu.memref_slice %run_scoped3A_7[%rem3A_210, %get3A, %get3A_316] : memref<2x8x1024xf32, #tpu.memory_space<vmem>> -> memref<1x8x1024xf32, #tpu.memory_space<vmem>>
            %get3A_318 = tpu.memref_squeeze %get3A_317 : memref<1x8x1024xf32, #tpu.memory_space<vmem>> -> memref<8x1024xf32, #tpu.memory_space<vmem>>
            %get3A_319 = arith.index_cast %add3A_305 : i32 to index
            %get3A_320 = arith.index_cast %add3A_315 : i32 to index
            %get3A_321 = tpu.vector_load %get3A_318[%get3A_319, %get3A_320] {strides = array<i32>} : memref<8x1024xf32, #tpu.memory_space<vmem>>, vector<1x16xf32>,
            %get3A_322 = vector.shape_cast %get3A_321 : vector<1x16xf32> to vector<1x16xf32>
            %get3A_323 = arith.constant 0 : index
            %get3A_324 = arith.index_cast %add3A_315 : i32 to index
            %get3A_325 = tpu.vector_load %arg7[%get3A_323, %get3A_324] {strides = array<i32>} : memref<1x1024xf32, #tpu.memory_space<vmem>>, vector<1x16xf32>,
            %get3A_326 = vector.shape_cast %get3A_325 : vector<1x16xf32> to vector<1x16xf32>
            %add3A_327 = arith.addf %get3A_322, %get3A_326 : vector<1x16xf32>
            %swap3A = arith.constant 0 : i32
            %swap3A_328 = arith.constant 0 : i32
            %swap3A_329 = tpu.memref_slice %run_scoped3A_9[%rem3A_212, %swap3A, %swap3A_328] : memref<2x8x1024xf32, #tpu.memory_space<vmem>> -> memref<1x8x1024xf32, #tpu.memory_space<vmem>>
            %swap3A_330 = tpu.memref_squeeze %swap3A_329 : memref<1x8x1024xf32, #tpu.memory_space<vmem>> -> memref<8x1024xf32, #tpu.memory_space<vmem>>
            %swap3A_331 = arith.index_cast %add3A_305 : i32 to index
            %swap3A_332 = arith.index_cast %add3A_315 : i32 to index
            %swap3A_333 = tpu.vector_load %swap3A_330[%swap3A_331, %swap3A_332] {strides = array<i32>} : memref<8x1024xf32, #tpu.memory_space<vmem>>, vector<1x16xf32>,
            %swap3A_334 = vector.shape_cast %swap3A_333 : vector<1x16xf32> to vector<1x16xf32>
            %swap3A_335 = vector.shape_cast %add3A_327 : vector<1x16xf32> to vector<1x16xf32>
            tpu.vector_store %swap3A_330[%swap3A_331, %swap3A_332], %swap3A_335 {strides = array<i32>} : memref<8x1024xf32, #tpu.memory_space<vmem>>, vector<1x16xf32>,
          }
          %scan3A_310 = arith.constant 64 : i32
        }
        %scan3A_217 = arith.constant 8 : i32
        "tpu.trace_stop"() : () -> ()
        %add3A_218 = arith.constant 3584 : i32
        %add3A_219 = arith.addi %add3A_134, %add3A_218 : i32
        %add3A_220 = arith.constant 3584 : i32
        %add3A_221 = arith.addi %add3A_152, %add3A_220 : i32
        %ne3A_222 = arith.cmpi ne, %add3A_219, %add3A_221 : i32
        %or3A_223 = arith.constant false
        %or3A_224 = arith.ori %or3A_223, %ne3A_222 : i1
        %or3A_225 = arith.constant false
        %or3A_226 = arith.ori %or3A_224, %or3A_225 : i1
        %or3A_227 = arith.ori %or3A_226, %eq3A_133 : i1
        %convert_element_type3A_228 = arith.extui %or3A_227 : i1 to i32
        %cond3A_229 = arith.constant 0 : i32
        %cond3A_230 = arith.cmpi ne, %convert_element_type3A_228, %cond3A_229 : i32
        scf.if %cond3A_230 {
        } else {
        }
        %and3A_231 = arith.constant false
        %and3A_232 = arith.andi %or3A_227, %and3A_231 : i1
        %ne3A_233 = arith.cmpi ne, %add3A_134, %add3A_152 : i32
        %or3A_234 = arith.constant false
        %or3A_235 = arith.ori %or3A_234, %ne3A_233 : i1
        %or3A_236 = arith.constant false
        %or3A_237 = arith.ori %or3A_235, %or3A_236 : i1
        %or3A_238 = arith.ori %or3A_237, %eq3A_133 : i1
        %convert_element_type3A_239 = arith.extui %or3A_238 : i1 to i32
        %cond3A_240 = arith.constant 0 : i32
        %cond3A_241 = arith.cmpi ne, %convert_element_type3A_239, %cond3A_240 : i32
        scf.if %cond3A_241 {
          "tpu.trace_start"() <{level = 10 : i32, message = "ep_copy_out"}> : () -> ()
          %rem3A_301 = arith.constant 2 : i32
          %rem3A_302 = arith.remui %scan3A_127, %rem3A_301 : i32
          %mul3A_303 = arith.constant 8 : i32
          %mul3A_304 = arith.muli %mul3A_303, %add3A_134 : i32
          %dma_start3A_305 = arith.constant 0 : i32
          %dma_start3A_306 = arith.constant 0 : i32
          %dma_start3A_307 = tpu.memref_slice %run_scoped3A_9[%rem3A_302, %dma_start3A_305, %dma_start3A_306] : memref<2x8x1024xf32, #tpu.memory_space<vmem>> -> memref<1x8x1024xf32, #tpu.memory_space<vmem>>
          %dma_start3A_308 = tpu.memref_squeeze %dma_start3A_307 : memref<1x8x1024xf32, #tpu.memory_space<vmem>> -> memref<8x1024xf32, #tpu.memory_space<vmem>>
          %dma_start3A_309 = arith.constant 0 : i32
          %dma_start3A_310 = tpu.memref_slice %arg5[%mul3A_304, %dma_start3A_309] : memref<4096x1024xf32, #tpu.memory_space<hbm>> -> memref<8x1024xf32, #tpu.memory_space<hbm>>
          %dma_start3A_311 = tpu.memref_slice %run_scoped3A_10[%rem3A_302] : memref<2x!tpu.dma_semaphore, #tpu.memory_space<semaphore_mem>> -> memref<1x!tpu.dma_semaphore, #tpu.memory_space<semaphore_mem>>
          %dma_start3A_312 = tpu.memref_squeeze %dma_start3A_311 : memref<1x!tpu.dma_semaphore, #tpu.memory_space<semaphore_mem>> -> memref<!tpu.dma_semaphore, #tpu.memory_space<semaphore_mem>>
          %dma_start3A_313 = arith.constant 0 : i32
          %dma_start3A_314 = tpu.memref_slice %arg5[%mul3A_304, %dma_start3A_313] : memref<4096x1024xf32, #tpu.memory_space<hbm>> -> memref<8x1024xf32, #tpu.memory_space<hbm>>
          %dma_start3A_315 = arith.constant 0 : i32
          %dma_start3A_316 = arith.constant 0 : i32
          %dma_start3A_317 = tpu.memref_slice %run_scoped3A_9[%rem3A_302, %dma_start3A_315, %dma_start3A_316] : memref<2x8x1024xf32, #tpu.memory_space<vmem>> -> memref<1x8x1024xf32, #tpu.memory_space<vmem>>
          %dma_start3A_318 = tpu.memref_squeeze %dma_start3A_317 : memref<1x8x1024xf32, #tpu.memory_space<vmem>> -> memref<8x1024xf32, #tpu.memory_space<vmem>>
          tpu.enqueue_dma source(%dma_start3A_318 : memref<8x1024xf32, #tpu.memory_space<vmem>>) target(%dma_start3A_314 : memref<8x1024xf32, #tpu.memory_space<hbm>>) target_semaphore(%dma_start3A_312 : memref<!tpu.dma_semaphore, #tpu.memory_space<semaphore_mem>>)
          "tpu.trace_stop"() : () -> ()
        } else {
        }
        %and3A_242 = arith.constant true
        %and3A_243 = arith.andi %or3A_238, %and3A_242 : i1
        %add3A_244 = arith.constant 1 : i32
        %add3A_245 = arith.addi %scan3A_127, %add3A_244 : i32
        %select_n3A_246 = arith.select %and3A_243, %add3A_245, %scan3A_127 : i32
        %add3A_247 = arith.constant 3584 : i32
        %add3A_248 = arith.addi %add3A_134, %add3A_247 : i32
        %add3A_249 = arith.constant 3584 : i32
        %add3A_250 = arith.addi %add3A_143, %add3A_249 : i32
        %ne3A_251 = arith.cmpi ne, %add3A_248, %add3A_250 : i32
        %or3A_252 = arith.constant false
        %or3A_253 = arith.ori %or3A_252, %ne3A_251 : i1
        %or3A_254 = arith.constant false
        %or3A_255 = arith.ori %or3A_253, %or3A_254 : i1
        %not3A_256 = arith.constant true
        %not3A_257 = arith.xori %eq3A_131, %not3A_256 : i1
        %and3A_258 = arith.andi %or3A_255, %not3A_257 : i1
        %convert_element_type3A_259 = arith.extui %and3A_258 : i1 to i32
        %cond3A_260 = arith.constant 0 : i32
        %cond3A_261 = arith.cmpi ne, %convert_element_type3A_259, %cond3A_260 : i32
        scf.if %cond3A_261 {
        } else {
        }
        %and3A_262 = arith.constant false
        %and3A_263 = arith.andi %and3A_258, %and3A_262 : i1
        %ne3A_264 = arith.cmpi ne, %add3A_134, %add3A_143 : i32
        %or3A_265 = arith.constant false
        %or3A_266 = arith.ori %or3A_265, %ne3A_264 : i1
        %or3A_267 = arith.constant false
        %or3A_268 = arith.ori %or3A_266, %or3A_267 : i1
        %not3A_269 = arith.constant true
        %not3A_270 = arith.xori %eq3A_131, %not3A_269 : i1
        %and3A_271 = arith.andi %or3A_268, %not3A_270 : i1
        %convert_element_type3A_272 = arith.extui %and3A_271 : i1 to i32
        %cond3A_273 = arith.constant 0 : i32
        %cond3A_274 = arith.cmpi ne, %convert_element_type3A_272, %cond3A_273 : i32
        scf.if %cond3A_274 {
          "tpu.trace_start"() <{level = 10 : i32, message = "ep_wait_out"}> : () -> ()
          %rem3A_301 = arith.constant 2 : i32
          %rem3A_302 = arith.remui %scan3A_128, %rem3A_301 : i32
          %mul3A_303 = arith.constant 8 : i32
          %mul3A_304 = arith.muli %mul3A_303, %add3A_143 : i32
          %dma_wait3A_305 = arith.constant 0 : i32
          %dma_wait3A_306 = arith.constant 0 : i32
          %dma_wait3A_307 = tpu.memref_slice %run_scoped3A_9[%rem3A_302, %dma_wait3A_305, %dma_wait3A_306] : memref<2x8x1024xf32, #tpu.memory_space<vmem>> -> memref<1x8x1024xf32, #tpu.memory_space<vmem>>
          %dma_wait3A_308 = tpu.memref_squeeze %dma_wait3A_307 : memref<1x8x1024xf32, #tpu.memory_space<vmem>> -> memref<8x1024xf32, #tpu.memory_space<vmem>>
          %dma_wait3A_309 = arith.constant 0 : i32
          %dma_wait3A_310 = tpu.memref_slice %arg5[%mul3A_304, %dma_wait3A_309] : memref<4096x1024xf32, #tpu.memory_space<hbm>> -> memref<8x1024xf32, #tpu.memory_space<hbm>>
          %dma_wait3A_311 = tpu.memref_slice %run_scoped3A_10[%rem3A_302] : memref<2x!tpu.dma_semaphore, #tpu.memory_space<semaphore_mem>> -> memref<1x!tpu.dma_semaphore, #tpu.memory_space<semaphore_mem>>
          %dma_wait3A_312 = tpu.memref_squeeze %dma_wait3A_311 : memref<1x!tpu.dma_semaphore, #tpu.memory_space<semaphore_mem>> -> memref<!tpu.dma_semaphore, #tpu.memory_space<semaphore_mem>>
          %dma_wait3A_313 = arith.constant 0 : i32
          %dma_wait3A_314 = tpu.memref_slice %arg5[%mul3A_304, %dma_wait3A_313] : memref<4096x1024xf32, #tpu.memory_space<hbm>> -> memref<8x1024xf32, #tpu.memory_space<hbm>>
          %dma_wait3A_315 = arith.constant 0 : i32
          %dma_wait3A_316 = arith.constant 0 : i32
          %dma_wait3A_317 = tpu.memref_slice %run_scoped3A_9[%rem3A_302, %dma_wait3A_315, %dma_wait3A_316] : memref<2x8x1024xf32, #tpu.memory_space<vmem>> -> memref<1x8x1024xf32, #tpu.memory_space<vmem>>
          %dma_wait3A_318 = tpu.memref_squeeze %dma_wait3A_317 : memref<1x8x1024xf32, #tpu.memory_space<vmem>> -> memref<8x1024xf32, #tpu.memory_space<vmem>>
          tpu.wait_dma2 semaphore(%dma_wait3A_312 : memref<!tpu.dma_semaphore, #tpu.memory_space<semaphore_mem>>) src(%dma_wait3A_318 : memref<8x1024xf32, #tpu.memory_space<vmem>>) dst(%dma_wait3A_314 : memref<8x1024xf32, #tpu.memory_space<hbm>>)
          "tpu.trace_stop"() : () -> ()
        } else {
        }
        %and3A_275 = arith.constant true
        %and3A_276 = arith.andi %and3A_271, %and3A_275 : i1
        %add3A_277 = arith.constant 1 : i32
        %add3A_278 = arith.addi %scan3A_128, %add3A_277 : i32
        %select_n3A_279 = arith.select %and3A_276, %add3A_278, %scan3A_128 : i32
        %add3A_280 = arith.constant 3584 : i32
        %add3A_281 = arith.addi %add3A_134, %add3A_280 : i32
        %add3A_282 = arith.constant 3584 : i32
        %add3A_283 = arith.addi %add3A_152, %add3A_282 : i32
        %ne3A_284 = arith.cmpi ne, %add3A_281, %add3A_283 : i32
        %or3A_285 = arith.constant false
        %or3A_286 = arith.ori %or3A_285, %ne3A_284 : i1
        %or3A_287 = arith.constant false
        %or3A_288 = arith.ori %or3A_286, %or3A_287 : i1
        %or3A_289 = arith.ori %or3A_288, %eq3A_133 : i1
        %add3A_290 = arith.constant 1 : i32
        %add3A_291 = arith.addi %scan3A_126, %add3A_290 : i32
        %select_n3A_292 = arith.select %or3A_289, %add3A_291, %scan3A_126 : i32
        %add3A_293 = arith.constant 1 : i32
        %add3A_294 = arith.addi %scan3A_129, %add3A_293 : i32
        %select_n3A_295 = arith.constant true
        %select_n3A_296 = arith.select %select_n3A_295, %add3A_294, %scan3A_129 : i32
        %eq3A_297 = arith.constant 16 : i32
        %eq3A_298 = arith.cmpi eq, %select_n3A_296, %eq3A_297 : i32
        %select_n3A_299 = arith.constant 0 : i32
        %select_n3A_300 = arith.select %eq3A_298, %select_n3A_299, %select_n3A_296 : i32
        scf.yield %select_n3A_176, %select_n3A_292, %select_n3A_246, %select_n3A_279, %select_n3A_300 : i32, i32, i32, i32, i32
      }
      %scan3A_71 = arith.constant 16 : i32
      %sub3A = arith.constant 1 : i32
      %sub3A_72 = arith.subi %scan3A_70#4, %sub3A : i32
      %select_n3A_73 = arith.constant true
      %select_n3A_74 = arith.select %select_n3A_73, %sub3A_72, %scan3A_70#4 : i32
      %eq3A_75 = arith.constant -1 : i32
      %eq3A_76 = arith.cmpi eq, %select_n3A_74, %eq3A_75 : i32
      %select_n3A_77 = arith.constant 15 : i32
      %select_n3A_78 = arith.select %eq3A_76, %select_n3A_77, %select_n3A_74 : i32
      %add3A_79 = arith.addi %select_n3A_78, %mul3A_6 : i32
      %sub3A_80 = arith.constant 1 : i32
      %sub3A_81 = arith.subi %select_n3A_78, %sub3A_80 : i32
      %select_n3A_82 = arith.constant true
      %select_n3A_83 = arith.select %select_n3A_82, %sub3A_81, %select_n3A_78 : i32
      %eq3A_84 = arith.constant -1 : i32
      %eq3A_85 = arith.cmpi eq, %select_n3A_83, %eq3A_84 : i32
      %select_n3A_86 = arith.constant 15 : i32
      %select_n3A_87 = arith.select %eq3A_85, %select_n3A_86, %select_n3A_83 : i32
      %add3A_88 = arith.addi %select_n3A_87, %mul3A_6 : i32
      %add3A_89 = arith.constant 1 : i32
      %add3A_90 = arith.addi %select_n3A_78, %add3A_89 : i32
      %select_n3A_91 = arith.constant true
      %select_n3A_92 = arith.select %select_n3A_91, %add3A_90, %select_n3A_78 : i32
      %eq3A_93 = arith.constant 16 : i32
      %eq3A_94 = arith.cmpi eq, %select_n3A_92, %eq3A_93 : i32
      %select_n3A_95 = arith.constant 0 : i32
      %select_n3A_96 = arith.select %eq3A_94, %select_n3A_95, %select_n3A_92 : i32
      %add3A_97 = arith.addi %select_n3A_96, %mul3A_6 : i32
      %add3A_98 = arith.constant 1 : i32
      %add3A_99 = arith.addi %select_n3A_96, %add3A_98 : i32
      %select_n3A_100 = arith.constant true
      %select_n3A_101 = arith.select %select_n3A_100, %add3A_99, %select_n3A_96 : i32
      %eq3A_102 = arith.constant 16 : i32
      %eq3A_103 = arith.cmpi eq, %select_n3A_101, %eq3A_102 : i32
      %select_n3A_104 = arith.constant 0 : i32
      %select_n3A_105 = arith.select %eq3A_103, %select_n3A_104, %select_n3A_101 : i32
      %add3A_106 = arith.addi %select_n3A_105, %mul3A_6 : i32
      "tpu.trace_start"() <{level = 10 : i32, message = "ep_finalize"}> : () -> ()
      %rem3A_107 = arith.constant 2 : i32
      %rem3A_108 = arith.remui %scan3A_70#3, %rem3A_107 : i32
      %mul3A_109 = arith.constant 8 : i32
      %mul3A_110 = arith.muli %mul3A_109, %add3A_79 : i32
      %dma_wait3A = arith.constant 0 : i32
      %dma_wait3A_111 = arith.constant 0 : i32
      %dma_wait3A_112 = tpu.memref_slice %run_scoped3A_9[%rem3A_108, %dma_wait3A, %dma_wait3A_111] : memref<2x8x1024xf32, #tpu.memory_space<vmem>> -> memref<1x8x1024xf32, #tpu.memory_space<vmem>>
      %dma_wait3A_113 = tpu.memref_squeeze %dma_wait3A_112 : memref<1x8x1024xf32, #tpu.memory_space<vmem>> -> memref<8x1024xf32, #tpu.memory_space<vmem>>
      %dma_wait3A_114 = arith.constant 0 : i32
      %dma_wait3A_115 = tpu.memref_slice %arg5[%mul3A_110, %dma_wait3A_114] : memref<4096x1024xf32, #tpu.memory_space<hbm>> -> memref<8x1024xf32, #tpu.memory_space<hbm>>
      %dma_wait3A_116 = tpu.memref_slice %run_scoped3A_10[%rem3A_108] : memref<2x!tpu.dma_semaphore, #tpu.memory_space<semaphore_mem>> -> memref<1x!tpu.dma_semaphore, #tpu.memory_space<semaphore_mem>>
      %dma_wait3A_117 = tpu.memref_squeeze %dma_wait3A_116 : memref<1x!tpu.dma_semaphore, #tpu.memory_space<semaphore_mem>> -> memref<!tpu.dma_semaphore, #tpu.memory_space<semaphore_mem>>
      %dma_wait3A_118 = arith.constant 0 : i32
      %dma_wait3A_119 = tpu.memref_slice %arg5[%mul3A_110, %dma_wait3A_118] : memref<4096x1024xf32, #tpu.memory_space<hbm>> -> memref<8x1024xf32, #tpu.memory_space<hbm>>
      %dma_wait3A_120 = arith.constant 0 : i32
      %dma_wait3A_121 = arith.constant 0 : i32
      %dma_wait3A_122 = tpu.memref_slice %run_scoped3A_9[%rem3A_108, %dma_wait3A_120, %dma_wait3A_121] : memref<2x8x1024xf32, #tpu.memory_space<vmem>> -> memref<1x8x1024xf32, #tpu.memory_space<vmem>>
      %dma_wait3A_123 = tpu.memref_squeeze %dma_wait3A_122 : memref<1x8x1024xf32, #tpu.memory_space<vmem>> -> memref<8x1024xf32, #tpu.memory_space<vmem>>
      tpu.wait_dma2 semaphore(%dma_wait3A_117 : memref<!tpu.dma_semaphore, #tpu.memory_space<semaphore_mem>>) src(%dma_wait3A_123 : memref<8x1024xf32, #tpu.memory_space<vmem>>) dst(%dma_wait3A_119 : memref<8x1024xf32, #tpu.memory_space<hbm>>)
      "tpu.trace_stop"() : () -> ()
      tpu.yield
    }) : () -> ()
    return
  }
}

module attributes {stable_mosaic.version = 14 : i64} {
  func.func @_tc_add_kernel(%arg0: i32, %arg1: memref<1xi32, #tpu.memory_space<smem>>, %arg2: memref<8x1024xf32, #tpu.memory_space<vmem>>, %arg3: memref<2048x1024xf32, #tpu.memory_space<vmem>>, %arg4: memref<2048x1024xf32, #tpu.memory_space<vmem>>) attributes {dimension_semantics = [#tpu.dimension_semantics<parallel>], iteration_bounds = array<i64: 14>, scalar_prefetch = 1 : i64, scratch_operands = 0 : i64, tpu.core_type = #tpu.core_type<tc>, window_params = [{pipeline_mode = #tpu.pipeline_mode<synchronous>, transform_indices = @transform_0, window_bounds = array<i64: 8, 1024>}, {transform_indices = @transform_1, window_bounds = array<i64: 2048, 1024>}, {transform_indices = @transform_2, window_bounds = array<i64: 2048, 1024>}]} {
    %get3A = arith.constant 0 : index
    %get3A_0 = memref.load %arg1[%get3A] : memref<1xi32, #tpu.memory_space<smem>>
    %get3A_1 = arith.index_cast %get3A_0 : i32 to index
    %get3A_2 = arith.constant 0 : index
    %get3A_3 = vector.load %arg2[%get3A_1, %get3A_2] : memref<8x1024xf32, #tpu.memory_space<vmem>>, vector<1x1024xf32>
    %get3A_4 = arith.constant 0 : index
    %get3A_5 = arith.constant 0 : index
    %get3A_6 = vector.load %arg3[%get3A_4, %get3A_5] : memref<2048x1024xf32, #tpu.memory_space<vmem>>, vector<2048x1024xf32>
    %add3A = vector.broadcast %get3A_3 : vector<1x1024xf32> to vector<2048x1024xf32>
    %add3A_7 = arith.addf %get3A_6, %add3A : vector<2048x1024xf32>
    %swap3A = arith.constant 0 : index
    %swap3A_8 = arith.constant 0 : index
    %swap3A_9 = vector.load %arg4[%swap3A, %swap3A_8] : memref<2048x1024xf32, #tpu.memory_space<vmem>>, vector<2048x1024xf32>
    tpu.vector_store %arg4[%swap3A, %swap3A_8], %add3A_7 {strides = array<i32>} : memref<2048x1024xf32, #tpu.memory_space<vmem>>, vector<2048x1024xf32>,
    return
  }
  func.func @transform_0(%arg0: i32, %arg1: memref<1xi32, #tpu.memory_space<smem>>) -> (i32, i32) {
    %c0_i32 = arith.constant 0 : i32
    %c0_i32_0 = arith.constant 0 : i32
    %c0_i32_1 = arith.constant 0 : i32
    return %c0_i32, %c0_i32_0 : i32, i32
  }
  func.func @transform_1(%arg0: i32, %arg1: memref<1xi32, #tpu.memory_space<smem>>) -> (i32, i32) {
    %c0_i32 = arith.constant 0 : i32
    %c0_i32_0 = arith.constant 0 : i32
    return %arg0, %c0_i32 : i32, i32
  }
  func.func @transform_2(%arg0: i32, %arg1: memref<1xi32, #tpu.memory_space<smem>>) -> (i32, i32) {
    %c0_i32 = arith.constant 0 : i32
    %c0_i32_0 = arith.constant 0 : i32
    return %arg0, %c0_i32 : i32, i32
  }
}

</mosaic_0001>

<sc_bundles>
// kernel: kernel.4.cloned.1.call-start
scs
__scs_entry_jumppad:
0x0: {  	(pc) =	sbr.rel $0x88, $3  }
0x1: {  	(tag) =	ssettag $0x0;
	lr =	simm.s32 $0x1  }
0x2: {  	[smem:$0x3F9E] =	sst lr;
	_ =	strace $0xD0000000  }
0x3: {  	_ = 	snop  }
0x4: {  	_ = 	snop  }
0x5: {  	_ = 	snop  }
0x6: {  	_ = 	snop  }
0x7: {  	_ = 	snop  }
__scs_overlays_trampoline_lowered:
0x8: {  	[smem:$0x3FAD] =	sst s0  }
0x9: {  	[smem:$0x3FAE] =	sst s1  }
0xa: {  	[smem:$0x3FAF] =	sst s2  }
0xb: {  	[smem:$0x3FB0] =	sst s3  }
0xc: {  	[smem:$0x3FB1] =	sst s4  }
0xd: {  	[smem:$0x3FB2] =	sst s5  }
0xe: {  	[smem:$0x3FB3] =	sst s6  }
0xf: {  	[smem:$0x3FB4] =	sst s7  }
0x10: {  	[smem:$0x3FB5] =	sst s8  }
0x11: {  	[smem:$0x3FB6] =	sst s9;
	s0 =	simm.s32 @!p0 $0x0  }
0x12: {  	s1 =	sld [smem:$0x3F9C];
	s0 =	simm.s32 @p0 $0x1  }
0x13: {  	[smem:$0x3FB7] =	sst s0;
	s0 =	simm.s32 @!p1 $0x0  }
0x14: {  	s2 =	sld [smem:$0x3F9B];
	s0 =	simm.s32 @p1 $0x1  }
0x15: {  	[smem:$0x3FB8] =	sst s0;
	s0 =	simm.s32 @!p2 $0x0  }
0x16: {  	s3 =	sld [smem:$0x3FDB];
	s0 =	simm.s32 @p2 $0x1  }
0x17: {  	s4 =	simm.s32 $0x1BF5;
	[smem:$0x3FBA] =	sst s0  }
0x18: {  	s0 =	sld [smem:$0x3F9D];
	_ =	swait.ge [sflag:s4], $0x0  }
0x19: {  	s7 =	sld [smem:$0x3F9E]  }
0x1a: {  	s8 =	sadd.s32 $0xFFFFE003, lr  }
0x1b: {  	s9 =	sadd.s32 $0xFFFFFEF7, lr;
	s5 =	simm.s32 $0xFFFFFFFF;
	p2 =	slt.u32 s8, $0xFFFFF086  }
0x1c: {  	p1 =	slt.u32 s9, $0xF7A;
	s5 =	simm.s32 @!p2 $0x0  }
0x1d: {  	s5 =	simm.s32 @p1 $0x1;
	p0 =	seq.s32 s7, s2  }
0x1e: {  	s7 =	smul.u32 @!p0 $0xF7A, s2;
	p2 =	seq.s32 @!p0 s5, $0x0  }
0x1f: {  	s9 =	smul.u32 $0xF7A, s1;
	s8 =	simm.s32 @!p0 $0x1BF5;
	p2 =	por !p2, p0  }
0x20: {  	[sflag:s8] =	ssyncset.s32 @!p0 $0xFFFFF086;
	s6 =	sadd.s32 @!p0 s3, s7;
	s7 =	simm.s32 @!p0 $0x108  }
0x21: {  	s3 =	sadd.s32 s3, s9;
	s6 =	sadd.s32 @!p0 $0x88, s6;
	s7 =	simm.s32 @p2 $0x1082  }
0x22: {  	[simem:s7], [sflag:s8] =	dma.local @!p0 [hbm:s6], $0xF7A  }
0x23: {  	s9 =	sor.u32 $0xD0000000, s2;
	s6 =	simm.s32 $0x108;
	_ =	swait.ge @!p0 [sflag:s8], $0x0  }
0x24: {  	s3 =	sadd.s32 $0x88, s3;
	s6 =	simm.s32 @!p1 $0x1082;
	[sflag:s4] =	ssyncset.s32 $0xFFFFF086  }
0x25: {  	[simem:s6], [sflag:s4] =	dma.local [hbm:s3], $0xF7A  }
0x26: {  	[smem:$0x3F9E] =	sst s1;
	(tag) =	ssettag s2;
	_ =	strace s9  }
0x27: {  	s1 =	sld [smem:$0x3FAE]  }
0x28: {  	s2 =	sld [smem:$0x3FAF]  }
0x29: {  	s4 =	sld [smem:$0x3FB1]  }
0x2a: {  	p0 =	seq.s32 s5, $0x0;
	s5 =	sld [smem:$0x3FB2]  }
0x2b: {  	s6 =	sld [smem:$0x3FB3]  }
0x2c: {  	s7 =	sld [smem:$0x3FB4]  }
0x2d: {  	s3 =	simm.s32 $0x108;
	s8 =	sld [smem:$0x3FB5]  }
0x2e: {  	s3 =	simm.s32 @!p0 $0x1082;
	s9 =	sld [smem:$0x3FB6]  }
0x2f: {  	lr =	sadd.s32 s0, s3;
	s0 =	sld [smem:$0x3FAD]  }
0x30: {  	s3 =	sld [smem:$0x3FB0]  }
0x31: {  	[smem:$0x3FB9] =	sst s10  }
0x32: {  	s10 =	sld [smem:$0x3FB7];
	_ =	sdelay $0x3  }
0x33: {  	p0 =	seq.s32 s10, $0x1;
	s10 =	sld [smem:$0x3FB9];
	_ =	sdelay $0x3  }
0x34: {  	[smem:$0x3FB9] =	sst s10  }
0x35: {  	s10 =	sld [smem:$0x3FB8];
	_ =	sdelay $0x3  }
0x36: {  	p1 =	seq.s32 s10, $0x1;
	s10 =	sld [smem:$0x3FB9];
	_ =	sdelay $0x3  }
0x37: {  	[smem:$0x3FB9] =	sst s10  }
0x38: {  	s10 =	sld [smem:$0x3FBA]  }
0x39: {  	_ = 	snop;
	(pc) =	sbr.ind lr, $3  }
0x3a: {  	_ = 	snop  }
0x3b: {  	_ = 	snop  }
0x3c: {  	p2 =	seq.s32 s10, $0x1;
	s10 =	sld [smem:$0x3FB9]  }
0x3d: {  	_ =	shalt  }
0x3e: {  	_ =	shalt  }
0x3f: {  	_ =	shalt  }
0x40: {  	_ =	shalt  }
0x41: {  	_ =	shalt  }
0x42: {  	_ =	shalt  }
0x43: {  	_ =	shalt  }
0x44: {  	_ =	shalt  }
0x45: {  	_ =	shalt  }
0x46: {  	_ =	shalt  }
0x47: {  	_ =	shalt  }
0x48: {  	_ =	shalt  }
0x49: {  	_ =	shalt  }
0x4a: {  	_ =	shalt  }
0x4b: {  	_ =	shalt  }
0x4c: {  	_ =	shalt  }
0x4d: {  	_ =	shalt  }
0x4e: {  	_ =	shalt  }
0x4f: {  	_ =	shalt  }
0x50: {  	_ =	shalt  }
0x51: {  	_ =	shalt  }
0x52: {  	_ =	shalt  }
0x53: {  	_ =	shalt  }
0x54: {  	_ =	shalt  }
0x55: {  	_ =	shalt  }
0x56: {  	_ =	shalt  }
0x57: {  	_ =	shalt  }
0x58: {  	_ =	shalt  }
0x59: {  	_ =	shalt  }
0x5a: {  	_ =	shalt  }
0x5b: {  	_ =	shalt  }
0x5c: {  	_ =	shalt  }
0x5d: {  	_ =	shalt  }
0x5e: {  	_ =	shalt  }
0x5f: {  	_ =	shalt  }
0x60: {  	_ =	shalt  }
0x61: {  	_ =	shalt  }
0x62: {  	_ =	shalt  }
0x63: {  	_ =	shalt  }
0x64: {  	_ =	shalt  }
0x65: {  	_ =	shalt  }
0x66: {  	_ =	shalt  }
0x67: {  	_ =	shalt  }
0x68: {  	_ =	shalt  }
0x69: {  	_ =	shalt  }
0x6a: {  	_ =	shalt  }
0x6b: {  	_ =	shalt  }
0x6c: {  	_ =	shalt  }
0x6d: {  	_ =	shalt  }
0x6e: {  	_ =	shalt  }
0x6f: {  	_ =	shalt  }
0x70: {  	_ =	shalt  }
0x71: {  	_ =	shalt  }
0x72: {  	_ =	shalt  }
0x73: {  	_ =	shalt  }
0x74: {  	_ =	shalt  }
0x75: {  	_ =	shalt  }
0x76: {  	_ =	shalt  }
0x77: {  	_ =	shalt  }
0x78: {  	_ =	shalt  }
0x79: {  	_ =	shalt  }
0x7a: {  	_ =	shalt  }
0x7b: {  	_ =	shalt  }
0x7c: {  	_ =	shalt  }
0x7d: {  	_ =	shalt  }
0x7e: {  	_ =	shalt  }
0x7f: {  	_ =	shalt  }
0x80: {  	_ =	shalt  }
0x81: {  	_ =	shalt  }
0x82: {  	_ =	shalt  }
0x83: {  	_ =	shalt  }
0x84: {  	_ =	shalt  }
0x85: {  	_ =	shalt  }
0x86: {  	_ =	shalt  }
0x87: {  	_ =	shalt  }
.Lfunc_end0:
.L_simem_size_0:
called_computation_lowered:
.L_overlay_start_0:
0x88: {  	s2 =	sld [smem:$0x3FD9]  }
0x89: {  	s3 =	sld [smem:$0x3FFE];
	_ =	sdelay $0x1  }
0x8a: {  	s1 =	srdreg.scid  }
0x8b: {  	s0 =	sand.u32 $0x1, s1  }
0x8c: {  	s17 =	sshll.u32 s0, $0xA;
	s2 =	sadd.s32 s3, s2  }
0x8d: {  	s2 =	sadd.s32 s2, s17  }
0x8e: {  	[smem:$0x3FC5] =	sst s2  }
0x8f: {  	_ = 	snop  }
0x90: {  	s2 =	sld [smem:$0x3FC9]  }
0x91: {  	s18 =	sld [smem:$0x3FC8]  }
0x92: {  	s4 =	sld [smem:$0x3FC7];
	(tm) =	ssettm $0x1  }
0x93: {  	s5 =	sld [smem:$0x3FFB];
	_ =	sdelay $0x3  }
0x94: {  	_ =	strace s5  }
0x95: {  	s5 =	sld [smem:$0x3FFC];
	_ =	sdelay $0x3  }
0x96: {  	_ =	strace s5  }
0x97: {  	s5 =	sld [smem:$0x3FFD];
	_ =	sdelay $0x3  }
0x98: {  	_ =	strace s5  }
0x99: {  	_ =	strace $0x8FFFFFFF  }
0x9a: {  	s19 =	sld [smem:$0x3FDB];
	_ =	sdelay $0x1  }
0x9b: {  	s6 =	simm.s32 $_scs_section_size  }
0x9c: {  	s7 =	simm.s32 $_size__tile_overlayer_lowered;
	s8 =	simm.s32 $_tile_overlayer_lowered  }
0x9d: {  	s22 =	simm.s32 $0x1BFF;
	s21 =	sshll.u32 s8, $0x1;
	s5 =	sadd.s32 s6, s19  }
0x9e: {  	s9 =	simm.s32 $0x0;
	s20 =	sshll.u32 s7, $0x1;
	s7 =	sadd.s32 s21, s5  }
0x9f: {  	[timem:s9], [sflag:s22] =	dma.local [hbm:s7], s20  }
0xa0: {  	_ =	swait.ge [sflag:s22], s20  }
0xa1: {  	s6 =	ssub.s32 $0x0, s20;
	[sflag:s22] =	ssyncset.done $0x0  }
0xa2: {  	[sflag:s22] =	ssyncadd.s32 s6;
	_ =	sdelay $0x1  }
0xa3: {  	s23 =	simm.s32 $0x1B8B  }
0xa4: {  	_ =	swait.ge [sflag:s23], $0x1  }
0xa5: {  	[sflag:s23] =	ssyncset.done $0x0  }
0xa6: {  	s25 =	simm.s32 $0x1B8E;
	s24 =	sld [smem:$0x3FFE];
	[sflag:s23] =	ssyncadd.s32 $0xFFFFFFFF  }
0xa7: {  	s26 =	simm.s32 $execute0_lowered;
	[smem:$0x3FD2] =	sst s25  }
0xa8: {  	s7 =	sshll.u32 s26, $0x1;
	_ =	strace $0x80000046;
	[dreg:$0x1] =	wrdreg $0xFFFFFFFF  }
0xa9: {  	s28 =	simm.s32 $_size_execute0_lowered;
	s5 =	sadd.s32 s5, s7;
	[dreg:$0x0] =	wrdreg $0x0  }
0xaa: {  	s7 =	sshll.u32 s28, $0x1;
	[dreg:$0x2] =	wrdreg s5  }
0xab: {  	[dreg:$0x3] =	wrdreg s7  }
0xac: {  	[dreg:$0x4] =	wrdreg $0xC0  }
0xad: {  	_ =	task [dreg:s9], $0x5FFFF  }
0xae: {  	[dreg:$0x1] =	wrdreg $0xFFFFFFFF  }
0xaf: {  	[dreg:$0x0] =	wrdreg $0x60  }
0xb0: {  	[dreg:$0x2] =	wrdreg s18  }
0xb1: {  	[dreg:$0x3] =	wrdreg s4  }
0xb2: {  	[dreg:$0x4] =	wrdreg s2  }
0xb3: {  	[dreg:$0x5] =	wrdreg s24  }
0xb4: {  	[dreg:$0x6] =	wrdreg $0x9  }
0xb5: {  	_ =	task.clear_ibuf [dreg:s9], $0x7FFFF;
	_ =	strace $0x90000046  }
0xb6: {  	s29 =	simm.s32 $0x9;
	_ =	strace $0x8000004F  }
0xb7: {  	_ =	swait.ge [sflag:s29], $0x1  }
0xb8: {  	[sflag:s29] =	ssyncadd.s32 $0xFFFFFFFF  }
0xb9: {  	_ =	strace $0x9000004F  }
0xba: {  	_ =	sfence  }
0xbb: {  	s30 =	sld [smem:$0x0];
	_ =	sdelay $0x2  }
0xbc: {  	s31 =	sshll.u32 s1, $0xD;
	s1 =	sshrl.u32 s1, $0x2  }
0xbd: {  	s3 =	sand.u32 $0x4000, s31;
	s1 =	sadd.s32 s1, s30  }
0xbe: {  	s0 =	sor.u32 s3, s0;
	s1 =	sshll.u32 s1, $0x11  }
0xbf: {  	s0 =	sor.u32 s1, s0  }
0xc0: {  	s0 =	sadd.s32 $0x8F2B, s0  }
0xc1: {  	[sflag:s0] =	ssyncadd.remote.s32 $0x1  }
0xc2: {  	_ =	sfence.sel $0xFFFF  }
0xc3: {  	[dreg:$0x0] =	wrdreg $0xFFFFFFFF;
	(pc) =	sbr.abs _section_cstart, $3  }
0xc4: {  	[dreg:$0x1] =	wrdreg $0xFFFFFFFF  }
0xc5: {  	_ =	task.clear_ibuf [dreg:s9], $0x2FFFF;
	_ =	strace $0x9FFFFFFF  }
0xc6: {  	(tm) =	ssettm $0x7FFFFFFF  }
0xc7: {  	_ =	shalt  }
tec
execute0_lowered:
.L_overlay_start_1:
0x0: {  	(tag) =	ssettag $0x1  }
0x1: {  	s0 =	srdreg.scid;
	s4 =	rddreg [dreg:$0x2]  }
0x2: {  	s3 =	stileid.u32;
	s1 =	rddreg [dreg:$0x3]  }
0x3: {  	s5 =	simm.s32 $0x0;
	s10 =	simm.s32 $0x80;
	s11 =	simm.s32 $0x480  }
0x4: {  	s12 =	simm.s32 $0x1;
	s13 =	simm.s32 $0x4;
	s0 =	sand.u32 $0x1, s0  }
.Ltmp0:
0x5: {  	s3 =	sshll.u32 s3, $0x4;
	s2 =	sshll.u32 s0, $0x8;
	(pc) =	sbr.rel .LBB2_1-.Ltmp0, $4  }
0x6: {  	s14 =	simm.s32 $0x0;
	s0 =	ssub.s32 $0x2, s0;
	s6 =	sor.u32 s3, s2  }
0x7: {  	[smem:$0x7FF] =	sst s5;
	s31 =	sshrl.u32 s0, $0x1;
	s2 =	sshll.u32 s6, $0xA  }
0x8: {  	v1 =	vlaneseq.u32;
	s7 =	sadd.s32 $0x600, s1;
	s0 =	ssub.s32 s0, s31;
	s2 =	sadd.s32 s2, s4  }
0x9: {  	v0 =	vimm.s32 $0x0;
	vm0 =	vmmov $0xff;
	v1 =	vmul.u32 $0x8, v1;
	_ =	strace $0x80000047;
	s9 =	smax.u32 s0, $0x1;
	s8 =	sadd.s32 $0x380000, s2  }
.LBB2_34:
0xa: {  	s14 =	sadd.s32 $0x1, s14  }
0xb: {  	p0 =	sne.s32 s14, s9  }
.Ltmp1:
0xc: {  	_ =	strace $0x8000004E;
	(pc) =	sbr.rel @!p0 .LBB2_35-.Ltmp1, $4  }
0xd: {  	_ =	swait.ge [sflag:s13], $0x2000  }
0xe: {  	[sflag:s13] =	ssyncset.done $0x0  }
0xf: {  	[sflag:s13] =	ssyncadd.s32 $0xFFFFE000  }
0x10: {  	_ =	strace $0x9000004E  }
.LBB2_1:
0x11: {  	s0 =	rddreg [dreg:$0x0]  }
0x12: {  	[tilespmem:s5], [sflag:$0x1] =	stream.linear.gather [hbm4b:s0+s5], $0x80, $0x38;
	[tilespmem:$0x8480] =	vst v63  }
0x13: {  	_ =	swait.ge [sflag:s12], $0x80  }
0x14: {  	[sflag:s12] =	ssyncset.done $0x0  }
0x15: {  	[sflag:s12] =	ssyncadd.s32 $0xFFFFFF80  }
0x16: {  	v2 =	vld.msk [tilespmem:$0x0], $0x1;
	_ =	sdelay $0x4  }
0x17: {  	v3 =	vshll.u32 v2, $0x3  }
0x18: {  	v2 =	vand.u32 $0x7, v2;
	v3 =	vand.u32 $0xFFFFFFC0, v3  }
0x19: {  	v2 =	vor.u32 v2, v3  }
0x1a: {  	v2 =	vperm.xlane v2, v0;
	_ =	sdelay $0x1  }
0x1b: {  	v2 =	vadd.s32 v1, v2;
	_ =	sdelay $0x3  }
0x1c: {  	s31 =	rddreg [dreg:$0x1]  }
0x1d: {  	[tilespmem:s10], [sflag:$0x1] =	stream.indirect_vreg.gather [hbm4b:s31+s5], $0x80, v2, vm0, $0xb8;
	[tilespmem:$0x8480] =	vst v63  }
0x1e: {  	_ =	swait.ge [sflag:s12], $0x400  }
0x1f: {  	[sflag:s12] =	ssyncset.done $0x0  }
0x20: {  	s15 =	simm.s32 $0x0;
	s16 =	simm.s32 $0x0;
	[sflag:s12] =	ssyncadd.s32 $0xFFFFFC00  }
0x21: {  	s17 =	simm.s32 $0x0;
	s18 =	simm.s32 $0x0;
	_ =	strace $0x80000048  }
0x22: {  	[tilespmem:s11], [sflag:$0x1] =	stream.linear.gather [hbm4b:s8+s5], $0x2000, $0x200038;
	[tilespmem:$0x8480] =	vst v63  }
0x23: {  	s19 =	simm.s32 $0x1;
	s20 =	simm.s32 $0x0;
	_ =	strace $0x90000048  }
.LBB2_2:
0x24: {  	s0 =	smov.u32 s15;
	s15 =	sadd.s32 $0x1, s15  }
0x25: {  	p0 =	seq.s32 s15, $0x10  }
0x26: {  	s15 =	simm.s32 @p0 $0x0  }
0x27: {  	p6 =	sne.s32 s20, $0xF;
	p1 =	sne.s32 s0, s15  }
0x28: {  	p0 =	por !p6, !p1  }
0x29: {  	p0 =	por !p0, !p0  }
0x2a: {  	s1 =	sadd.s32 @p0 s6, s15  }
0x2b: {  	s1 =	sshll.u32 @p0 s1, $0xD  }
0x2c: {  	s2 =	sand.u32 @p0 $0x1, s19;
	_ =	strace @p0 $0x80000049;
	s1 =	sadd.s32 @p0 $0x1C00000, s1  }
0x2d: {  	s21 =	simm.s32 @p0 $0x0;
	s3 =	sshll.u32 @p0 s2, $0xD;
	s1 =	sshrl.u32 @p0 s1, $0x3  }
0x2e: {  	s2 =	sadd.s32 @p0 $0x1, s2;
	s3 =	sor.u32 @p0 $0x480, s3;
	s1 =	sadd.s32 @p0 s4, s1  }
0x2f: {  	[tilespmem:s3], [sflag:s2] =	stream.linear.gather @p0 [hbm4b:s1+s21], $0x2000, $0x200038;
	[tilespmem:$0x8480] =	vst v63  }
0x30: {  	s2 =	sshll.u32 s18, $0xD  }
0x31: {  	s3 =	sand.u32 $0x1, s18;
	_ =	strace @p0 $0x90000049;
	s1 =	sand.u32 $0x2000, s2  }
0x32: {  	s2 =	sadd.s32 $0x1, s3;
	_ =	strace $0x8000004A;
	s22 =	sor.u32 $0x480, s1  }
0x33: {  	_ =	swait.ge [sflag:s2], $0x2000;
	v2 =	vmov s22  }
0x34: {  	[sflag:s2] =	ssyncset.done $0x0  }
0x35: {  	s21 =	simm.s32 $0x0;
	[sflag:s2] =	ssyncadd.s32 $0xFFFFE000  }
0x36: {  	s26 =	sand.u32 $0x70, s21;
	s28 =	sand.u32 $0x1C00, s21;
	_ =	strace $0x9000004A  }
0x37: {  	s30 =	sor.u32 s26, s28;
	_ =	strace $0x8000004B  }
0x38: {  	s25 =	simm.s32 $0x80;
	s21 =	sand.u32 $0x1, s17;
	v4 =	vld.idx.msk [tilespmem:v2+s30+$0x0 ss:$0x1], $0xffff  }
0x39: {  	s23 =	sshll.u32 s21, $0xD;
	v5 =	vld [tilespmem:s25+$0x0]  }
0x3a: {  	s23 =	sor.u32 $0x4480, s23  }
0x3b: {  	v3 =	vmov s23;
	_ =	sdelay $0x1  }
0x3c: {  	s29 =	simm.s32 $0x80  }
0x3d: {  	s24 =	sadd.s32 s6, s0;
	s31 =	sand.u32 $0x1C00, s29;
	s3 =	simm.s32 $0x10;
	v4 =	vadd.f32 v5, v4  }
0x3e: {  	s0 =	simm.s32 $0x80;
	s1 =	simm.s32 $0x100;
	s2 =	sand.u32 $0x70, s3  }
.LBB2_3:
0x3f: {  	p2 =	sne.s32 s1, $0x1F80;
	[tilespmem:v3+s30+$0x0 ss:$0x1] =	vst.idx.msk $0xffff, v4;
	s30 =	sor.u32 s2, s31  }
0x40: {  	s0 =	sadd.s32 $0x10, s0;
	v4 =	vld.idx.msk [tilespmem:v2+s30+$0x0 ss:$0x1], $0xffff  }
0x41: {  	v5 =	vld [tilespmem:s0+$0x0];
	_ =	sdelay $0x1  }
.Ltmp2:
0x42: {  	(pc) =	sbr.rel @p2 .LBB2_3-.Ltmp2, $3  }
0x43: {  	_ =	sdelay $0x1  }
0x44: {  	s3 =	sadd.s32 $0x10, s3;
	v4 =	vadd.f32 v5, v4  }
0x45: {  	s31 =	sand.u32 $0x1C00, s1;
	s1 =	sadd.s32 $0x80, s1;
	s2 =	sand.u32 $0x70, s3  }
0x46: {  	_ =	sdelay $0x3  }
0x47: {  	s1 =	sor.u32 s2, s31;
	[tilespmem:v3+s30+$0x0 ss:$0x1] =	vst.idx.msk $0xffff, v4  }
0x48: {  	s0 =	sadd.s32 $0x10, s0;
	v2 =	vld.idx.msk [tilespmem:v2+s1+$0x0 ss:$0x1], $0xffff  }
0x49: {  	v4 =	vld [tilespmem:s0+$0x0];
	_ =	sdelay $0x4  }
0x4a: {  	v2 =	vadd.f32 v4, v2  }
0x4b: {  	s31 =	sor.u32 s26, s28  }
0x4c: {  	s26 =	sor.u32 $0x80, s31;
	[tilespmem:v3+s1+$0x0 ss:$0x1] =	vst.idx.msk $0xffff, v2  }
0x4d: {  	s0 =	sadd.s32 s26, s22;
	v2 =	vld [tilespmem:s25+$0x0]  }
0x4e: {  	v3 =	vld [tilespmem:s0+$0x0];
	_ =	sdelay $0x3  }
0x4f: {  	s3 =	simm.s32 $0x10  }
0x50: {  	s2 =	sand.u32 $0x1C00, s29;
	s1 =	sand.u32 $0x70, s3;
	s0 =	simm.s32 $0x100;
	v2 =	vadd.f32 v2, v3  }
.LBB2_5:
0x51: {  	p2 =	sne.s32 s0, $0x1F80;
	s1 =	sor.u32 s1, s2;
	s2 =	sadd.s32 s26, s23  }
0x52: {  	s25 =	sadd.s32 $0x10, s25;
	s26 =	sor.u32 $0x80, s1;
	[tilespmem:s2+$0x0] =	vst v2  }
0x53: {  	s1 =	sadd.s32 s26, s22;
	v2 =	vld [tilespmem:s25+$0x0]  }
0x54: {  	v3 =	vld [tilespmem:s1+$0x0]  }
.Ltmp3:
0x55: {  	(pc) =	sbr.rel @p2 .LBB2_5-.Ltmp3, $3  }
0x56: {  	_ =	sdelay $0x1  }
0x57: {  	s3 =	sadd.s32 $0x10, s3  }
0x58: {  	s2 =	sand.u32 $0x1C00, s0;
	s0 =	sadd.s32 $0x80, s0;
	s1 =	sand.u32 $0x70, s3;
	v2 =	vadd.f32 v2, v3  }
0x59: {  	s0 =	sor.u32 s1, s2;
	s2 =	sadd.s32 s26, s23  }
0x5a: {  	s3 =	sadd.s32 $0x10, s25;
	s0 =	sor.u32 $0x80, s0;
	[tilespmem:s2+$0x0] =	vst v2  }
0x5b: {  	s25 =	sadd.s32 s0, s22;
	v2 =	vld [tilespmem:s3+$0x0]  }
0x5c: {  	v3 =	vld [tilespmem:s25+$0x0];
	_ =	sdelay $0x1  }
0x5d: {  	p3 =	por $0x1, $0x1  }
.Ltmp4:
0x5e: {  	_ = 	snop;
	(pc) =	sbr.rel @!p3 .LBB2_10-.Ltmp4, $4  }
0x5f: {  	s26 =	simm.s32 $0x0;
	s29 =	simm.s32 $0x80  }
0x60: {  	p2 =	por $0x0, $0x0;
	s31 =	simm.s32 $0x80;
	p4 =	por $0x0, $0x0;
	v2 =	vadd.f32 v2, v3  }
0x61: {  	s1 =	sand.u32 $0x70, s26;
	s2 =	sand.u32 $0x1C00, s26;
	s0 =	sadd.s32 s0, s23  }
0x62: {  	s28 =	smov.u32 s2;
	s26 =	smov.u32 s1;
	s25 =	simm.s32 $0x80;
	[tilespmem:s0+$0x0] =	vst v2  }
0x63: {  	s0 =	sor.u32 s1, s2  }
0x64: {  	s30 =	sor.u32 $0x100, s0  }
0x65: {  	v2 =	vld [tilespmem:s25+$0x0];
	s0 =	sadd.s32 s30, s22  }
0x66: {  	p5 =	por $0x1, $0x1;
	v3 =	vld [tilespmem:s0+$0x0]  }
.Ltmp5:
0x67: {  	_ = 	snop;
	(pc) =	sbr.rel @!p5 .LBB2_8-.Ltmp5, $3  }
0x68: {  	_ =	sdelay $0x1  }
0x69: {  	s3 =	simm.s32 $0x10;
	s28 =	sand.u32 $0x1C00, s29;
	p4 =	por $0x1, $0x1  }
0x6a: {  	s31 =	simm.s32 $0x80;
	s26 =	sand.u32 $0x70, s3;
	s0 =	simm.s32 $0x100;
	v2 =	vadd.f32 v2, v3  }
.LBB2_9:
0x6b: {  	p5 =	sne.s32 s0, $0x1F80;
	s26 =	sor.u32 s26, s28;
	s28 =	sadd.s32 s30, s23  }
0x6c: {  	s31 =	sadd.s32 $0x10, s31;
	s30 =	sor.u32 $0x100, s26;
	[tilespmem:s28+$0x0] =	vst v2  }
0x6d: {  	s26 =	sadd.s32 s30, s22;
	v2 =	vld [tilespmem:s31+$0x0]  }
0x6e: {  	v3 =	vld [tilespmem:s26+$0x0]  }
.Ltmp6:
0x6f: {  	(pc) =	sbr.rel @p5 .LBB2_9-.Ltmp6, $3  }
0x70: {  	_ =	sdelay $0x1  }
0x71: {  	s3 =	sadd.s32 $0x10, s3  }
0x72: {  	s28 =	sand.u32 $0x1C00, s0;
	s0 =	sadd.s32 $0x80, s0;
	s26 =	sand.u32 $0x70, s3;
	v2 =	vadd.f32 v2, v3  }
.LBB2_10:
0x73: {  	s0 =	sor.u32 s26, s28  }
0x74: {  	s3 =	sadd.s32 @p4 s30, s23;
	s26 =	sadd.s32 @p4 $0x10, s31;
	s28 =	simm.s32 $0x80  }
0x75: {  	s0 =	sor.u32 $0x100, s0;
	[tilespmem:s3+$0x0] =	vst @p4 v2;
	s28 =	smov.u32 @p4 s26  }
0x76: {  	s31 =	sadd.s32 s0, s22;
	v2 =	vld [tilespmem:s28+$0x0]  }
0x77: {  	v3 =	vld [tilespmem:s31+$0x0];
	_ =	sdelay $0x2  }
.Ltmp7:
0x78: {  	_ = 	snop;
	(pc) =	sbr.rel @!p3 .LBB2_11-.Ltmp7, $4  }
0x79: {  	_ = 	snop  }
0x7a: {  	v2 =	vadd.f32 v2, v3  }
0x7b: {  	s0 =	sadd.s32 s0, s23  }
0x7c: {  	[tilespmem:s0+$0x0] =	vst v2  }
0x7d: {  	s0 =	sor.u32 s1, s2  }
0x7e: {  	s30 =	sor.u32 $0x180, s0  }
0x7f: {  	v2 =	vld [tilespmem:s25+$0x0];
	s0 =	sadd.s32 s30, s22  }
0x80: {  	p3 =	por $0x1, $0x1;
	v3 =	vld [tilespmem:s0+$0x0]  }
.Ltmp8:
0x81: {  	_ = 	snop;
	(pc) =	sbr.rel @!p3 .LBB2_13-.Ltmp8, $3  }
0x82: {  	_ =	sdelay $0x1  }
0x83: {  	s3 =	simm.s32 $0x10;
	s2 =	sand.u32 $0x1C00, s29;
	p2 =	por $0x1, $0x1  }
0x84: {  	s29 =	simm.s32 $0x80;
	s1 =	sand.u32 $0x70, s3;
	s0 =	simm.s32 $0x100;
	v2 =	vadd.f32 v2, v3  }
.LBB2_14:
0x85: {  	p3 =	sne.s32 s0, $0x1F80;
	s1 =	sor.u32 s1, s2;
	s2 =	sadd.s32 s30, s23  }
0x86: {  	s29 =	sadd.s32 $0x10, s29;
	s30 =	sor.u32 $0x180, s1;
	[tilespmem:s2+$0x0] =	vst v2  }
0x87: {  	s1 =	sadd.s32 s30, s22;
	v2 =	vld [tilespmem:s29+$0x0]  }
0x88: {  	v3 =	vld [tilespmem:s1+$0x0]  }
.Ltmp9:
0x89: {  	(pc) =	sbr.rel @p3 .LBB2_14-.Ltmp9, $3  }
0x8a: {  	_ =	sdelay $0x1  }
0x8b: {  	s3 =	sadd.s32 $0x10, s3  }
0x8c: {  	s2 =	sand.u32 $0x1C00, s0;
	s0 =	sadd.s32 $0x80, s0;
	s1 =	sand.u32 $0x70, s3;
	v2 =	vadd.f32 v2, v3  }
.LBB2_15:
0x8d: {  	s0 =	sor.u32 s1, s2;
	s1 =	sadd.s32 @p2 s30, s23;
	s2 =	sadd.s32 @p2 $0x10, s29  }
0x8e: {  	s0 =	sor.u32 $0x180, s0;
	[tilespmem:s1+$0x0] =	vst @p2 v2;
	s25 =	smov.u32 @p2 s2  }
0x8f: {  	s2 =	sadd.s32 s0, s22;
	v2 =	vld [tilespmem:s25+$0x0]  }
0x90: {  	v3 =	vld [tilespmem:s2+$0x0];
	_ =	sdelay $0x1  }
0x91: {  	p3 =	por $0x1, $0x1  }
.Ltmp10:
0x92: {  	_ = 	snop;
	(pc) =	sbr.rel @!p3 .LBB2_19-.Ltmp10, $4  }
0x93: {  	s3 =	simm.s32 $0x0;
	s29 =	simm.s32 $0x80  }
0x94: {  	s31 =	simm.s32 $0x80;
	p4 =	por $0x0, $0x0;
	s26 =	sand.u32 $0x70, s3;
	v2 =	vadd.f32 v2, v3  }
0x95: {  	s28 =	sand.u32 $0x1C00, s3;
	p2 =	por $0x0, $0x0;
	s0 =	sadd.s32 s0, s23  }
0x96: {  	s25 =	simm.s32 $0x80;
	s1 =	smov.u32 s26;
	s2 =	smov.u32 s28;
	[tilespmem:s0+$0x0] =	vst v2  }
0x97: {  	s0 =	sor.u32 s26, s28  }
0x98: {  	s30 =	sor.u32 $0x200, s0  }
0x99: {  	v2 =	vld [tilespmem:s25+$0x0];
	s0 =	sadd.s32 s30, s22  }
0x9a: {  	p5 =	por $0x1, $0x1;
	v3 =	vld [tilespmem:s0+$0x0]  }
.Ltmp11:
0x9b: {  	_ = 	snop;
	(pc) =	sbr.rel @!p5 .LBB2_17-.Ltmp11, $3  }
0x9c: {  	_ =	sdelay $0x1  }
0x9d: {  	s3 =	simm.s32 $0x10;
	s2 =	sand.u32 $0x1C00, s29;
	p4 =	por $0x1, $0x1  }
0x9e: {  	s31 =	simm.s32 $0x80;
	s1 =	sand.u32 $0x70, s3;
	s0 =	simm.s32 $0x100;
	v2 =	vadd.f32 v2, v3  }
.LBB2_18:
0x9f: {  	p5 =	sne.s32 s0, $0x1F80;
	s1 =	sor.u32 s1, s2;
	s2 =	sadd.s32 s30, s23  }
0xa0: {  	s31 =	sadd.s32 $0x10, s31;
	s30 =	sor.u32 $0x200, s1;
	[tilespmem:s2+$0x0] =	vst v2  }
0xa1: {  	s1 =	sadd.s32 s30, s22;
	v2 =	vld [tilespmem:s31+$0x0]  }
0xa2: {  	v3 =	vld [tilespmem:s1+$0x0]  }
.Ltmp12:
0xa3: {  	(pc) =	sbr.rel @p5 .LBB2_18-.Ltmp12, $3  }
0xa4: {  	_ =	sdelay $0x1  }
0xa5: {  	s3 =	sadd.s32 $0x10, s3  }
0xa6: {  	s2 =	sand.u32 $0x1C00, s0;
	s0 =	sadd.s32 $0x80, s0;
	s1 =	sand.u32 $0x70, s3;
	v2 =	vadd.f32 v2, v3  }
.LBB2_19:
0xa7: {  	s0 =	sor.u32 s1, s2  }
0xa8: {  	s1 =	sadd.s32 @p4 s30, s23;
	s2 =	sadd.s32 @p4 $0x10, s31;
	s3 =	simm.s32 $0x80  }
0xa9: {  	s0 =	sor.u32 $0x200, s0;
	[tilespmem:s1+$0x0] =	vst @p4 v2;
	s3 =	smov.u32 @p4 s2  }
0xaa: {  	s31 =	sadd.s32 s0, s22;
	v2 =	vld [tilespmem:s3+$0x0]  }
0xab: {  	v3 =	vld [tilespmem:s31+$0x0];
	_ =	sdelay $0x2  }
.Ltmp13:
0xac: {  	_ = 	snop;
	(pc) =	sbr.rel @!p3 .LBB2_20-.Ltmp13, $4  }
0xad: {  	_ = 	snop  }
0xae: {  	v2 =	vadd.f32 v2, v3  }
0xaf: {  	s0 =	sadd.s32 s0, s23  }
0xb0: {  	[tilespmem:s0+$0x0] =	vst v2  }
0xb1: {  	s0 =	sor.u32 s26, s28  }
0xb2: {  	s30 =	sor.u32 $0x280, s0  }
0xb3: {  	v2 =	vld [tilespmem:s25+$0x0];
	s0 =	sadd.s32 s30, s22  }
0xb4: {  	p3 =	por $0x1, $0x1;
	v3 =	vld [tilespmem:s0+$0x0]  }
.Ltmp14:
0xb5: {  	_ = 	snop;
	(pc) =	sbr.rel @!p3 .LBB2_22-.Ltmp14, $3  }
0xb6: {  	_ =	sdelay $0x1  }
0xb7: {  	s3 =	simm.s32 $0x10;
	s28 =	sand.u32 $0x1C00, s29;
	p2 =	por $0x1, $0x1  }
0xb8: {  	s29 =	simm.s32 $0x80;
	s26 =	sand.u32 $0x70, s3;
	s0 =	simm.s32 $0x100;
	v2 =	vadd.f32 v2, v3  }
.LBB2_23:
0xb9: {  	p3 =	sne.s32 s0, $0x1F80;
	s1 =	sor.u32 s26, s28;
	s2 =	sadd.s32 s30, s23  }
0xba: {  	s29 =	sadd.s32 $0x10, s29;
	s30 =	sor.u32 $0x280, s1;
	[tilespmem:s2+$0x0] =	vst v2  }
0xbb: {  	s1 =	sadd.s32 s30, s22;
	v2 =	vld [tilespmem:s29+$0x0]  }
0xbc: {  	v3 =	vld [tilespmem:s1+$0x0]  }
.Ltmp15:
0xbd: {  	(pc) =	sbr.rel @p3 .LBB2_23-.Ltmp15, $3  }
0xbe: {  	_ =	sdelay $0x1  }
0xbf: {  	s3 =	sadd.s32 $0x10, s3  }
0xc0: {  	s28 =	sand.u32 $0x1C00, s0;
	s0 =	sadd.s32 $0x80, s0;
	s26 =	sand.u32 $0x70, s3;
	v2 =	vadd.f32 v2, v3  }
.LBB2_24:
0xc1: {  	s0 =	sor.u32 s26, s28;
	s1 =	sadd.s32 @p2 s30, s23;
	s2 =	sadd.s32 @p2 $0x10, s29  }
0xc2: {  	s0 =	sor.u32 $0x280, s0;
	[tilespmem:s1+$0x0] =	vst @p2 v2;
	s25 =	smov.u32 @p2 s2  }
0xc3: {  	s2 =	sadd.s32 s0, s22;
	v2 =	vld [tilespmem:s25+$0x0]  }
0xc4: {  	v3 =	vld [tilespmem:s2+$0x0];
	_ =	sdelay $0x1  }
0xc5: {  	p3 =	por $0x1, $0x1  }
.Ltmp16:
0xc6: {  	_ = 	snop;
	(pc) =	sbr.rel @!p3 .LBB2_28-.Ltmp16, $4  }
0xc7: {  	s3 =	simm.s32 $0x0;
	s29 =	simm.s32 $0x80  }
0xc8: {  	s31 =	simm.s32 $0x80;
	p4 =	por $0x0, $0x0;
	s26 =	sand.u32 $0x70, s3;
	v2 =	vadd.f32 v2, v3  }
0xc9: {  	s28 =	sand.u32 $0x1C00, s3;
	p2 =	por $0x0, $0x0;
	s0 =	sadd.s32 s0, s23  }
0xca: {  	s25 =	simm.s32 $0x80;
	s1 =	smov.u32 s26;
	s2 =	smov.u32 s28;
	[tilespmem:s0+$0x0] =	vst v2  }
0xcb: {  	s0 =	sor.u32 s26, s28  }
0xcc: {  	s30 =	sor.u32 $0x300, s0  }
0xcd: {  	v2 =	vld [tilespmem:s25+$0x0];
	s0 =	sadd.s32 s30, s22  }
0xce: {  	p5 =	por $0x1, $0x1;
	v3 =	vld [tilespmem:s0+$0x0]  }
.Ltmp17:
0xcf: {  	_ = 	snop;
	(pc) =	sbr.rel @!p5 .LBB2_26-.Ltmp17, $3  }
0xd0: {  	_ =	sdelay $0x1  }
0xd1: {  	s3 =	simm.s32 $0x10;
	s2 =	sand.u32 $0x1C00, s29;
	p4 =	por $0x1, $0x1  }
0xd2: {  	s31 =	simm.s32 $0x80;
	s1 =	sand.u32 $0x70, s3;
	s0 =	simm.s32 $0x100;
	v2 =	vadd.f32 v2, v3  }
.LBB2_27:
0xd3: {  	p5 =	sne.s32 s0, $0x1F80;
	s1 =	sor.u32 s1, s2;
	s2 =	sadd.s32 s30, s23  }
0xd4: {  	s31 =	sadd.s32 $0x10, s31;
	s30 =	sor.u32 $0x300, s1;
	[tilespmem:s2+$0x0] =	vst v2  }
0xd5: {  	s1 =	sadd.s32 s30, s22;
	v2 =	vld [tilespmem:s31+$0x0]  }
0xd6: {  	v3 =	vld [tilespmem:s1+$0x0]  }
.Ltmp18:
0xd7: {  	(pc) =	sbr.rel @p5 .LBB2_27-.Ltmp18, $3  }
0xd8: {  	_ =	sdelay $0x1  }
0xd9: {  	s3 =	sadd.s32 $0x10, s3  }
0xda: {  	s2 =	sand.u32 $0x1C00, s0;
	s0 =	sadd.s32 $0x80, s0;
	s1 =	sand.u32 $0x70, s3;
	v2 =	vadd.f32 v2, v3  }
.LBB2_28:
0xdb: {  	s0 =	sor.u32 s1, s2  }
0xdc: {  	s1 =	sadd.s32 @p4 s30, s23;
	s2 =	sadd.s32 @p4 $0x10, s31;
	s3 =	simm.s32 $0x80  }
0xdd: {  	s0 =	sor.u32 $0x300, s0;
	[tilespmem:s1+$0x0] =	vst @p4 v2;
	s3 =	smov.u32 @p4 s2  }
0xde: {  	s31 =	sadd.s32 s0, s22;
	v2 =	vld [tilespmem:s3+$0x0]  }
0xdf: {  	v3 =	vld [tilespmem:s31+$0x0];
	_ =	sdelay $0x2  }
.Ltmp19:
0xe0: {  	_ = 	snop;
	(pc) =	sbr.rel @!p3 .LBB2_29-.Ltmp19, $4  }
0xe1: {  	_ = 	snop  }
0xe2: {  	v2 =	vadd.f32 v2, v3  }
0xe3: {  	s0 =	sadd.s32 s0, s23  }
0xe4: {  	[tilespmem:s0+$0x0] =	vst v2  }
0xe5: {  	s0 =	sor.u32 s26, s28  }
0xe6: {  	s30 =	sor.u32 $0x380, s0  }
0xe7: {  	v2 =	vld [tilespmem:s25+$0x0];
	s0 =	sadd.s32 s30, s22  }
0xe8: {  	p3 =	por $0x1, $0x1;
	v3 =	vld [tilespmem:s0+$0x0]  }
.Ltmp20:
0xe9: {  	_ = 	snop;
	(pc) =	sbr.rel @!p3 .LBB2_31-.Ltmp20, $3  }
0xea: {  	_ =	sdelay $0x1  }
0xeb: {  	s3 =	simm.s32 $0x10;
	s28 =	sand.u32 $0x1C00, s29;
	p2 =	por $0x1, $0x1  }
0xec: {  	s29 =	simm.s32 $0x80;
	s26 =	sand.u32 $0x70, s3;
	s0 =	simm.s32 $0x100;
	v2 =	vadd.f32 v2, v3  }
.LBB2_32:
0xed: {  	p3 =	sne.s32 s0, $0x1F80;
	s1 =	sor.u32 s26, s28;
	s2 =	sadd.s32 s30, s23  }
0xee: {  	s29 =	sadd.s32 $0x10, s29;
	s30 =	sor.u32 $0x380, s1;
	[tilespmem:s2+$0x0] =	vst v2  }
0xef: {  	s1 =	sadd.s32 s30, s22;
	v2 =	vld [tilespmem:s29+$0x0]  }
0xf0: {  	v3 =	vld [tilespmem:s1+$0x0]  }
.Ltmp21:
0xf1: {  	(pc) =	sbr.rel @p3 .LBB2_32-.Ltmp21, $3  }
0xf2: {  	_ =	sdelay $0x1  }
0xf3: {  	s3 =	sadd.s32 $0x10, s3  }
0xf4: {  	s28 =	sand.u32 $0x1C00, s0;
	s0 =	sadd.s32 $0x80, s0;
	s26 =	sand.u32 $0x70, s3;
	v2 =	vadd.f32 v2, v3  }
.LBB2_33:
0xf5: {  	s0 =	sor.u32 s26, s28;
	s1 =	sadd.s32 @p2 s30, s23;
	s2 =	sadd.s32 @p2 $0x10, s29  }
0xf6: {  	s0 =	sor.u32 $0x380, s0;
	[tilespmem:s1+$0x0] =	vst @p2 v2;
	s25 =	smov.u32 @p2 s2  }
0xf7: {  	s31 =	sadd.s32 s0, s22;
	v2 =	vld [tilespmem:s25+$0x0]  }
0xf8: {  	v3 =	vld [tilespmem:s31+$0x0];
	_ =	sdelay $0x3  }
0xf9: {  	p6 =	seq.s32 s20, $0xF  }
0xfa: {  	p1 =	por p6, p1;
	v2 =	vadd.f32 v2, v3  }
0xfb: {  	s0 =	sadd.s32 s0, s23;
	s1 =	sshll.u32 @p1 s24, $0xA;
	s2 =	sadd.s32 @p1 $0x3, s21  }
0xfc: {  	s3 =	simm.s32 @p1 $0x0;
	s1 =	sand.u32 @p1 $0x1FFFFC00, s1;
	[tilespmem:s0+$0x0] =	vst v2;
	s0 =	simm.s32 $0x1  }
0xfd: {  	s1 =	sadd.s32 @p1 s7, s1;
	_ =	strace $0x9000004B;
	s0 =	simm.s32 @!p0 $0x0  }
0xfe: {  	_ =	strace @p1 $0x8000004C;
	s19 =	sadd.s32 s0, s19;
	s0 =	simm.s32 $0x1  }
0xff: {  	[hbm4b:s1+s3] =	stream.linear.scatter @p1 [tilespmem:s23], [sflag:s2], $0x2000, $0x200038;
	[tilespmem:$0x8480] =	vst v63  }
0x100: {  	p0 =	seq.s32 s20, $0x0;
	s0 =	simm.s32 @!p1 $0x0;
	s2 =	simm.s32 $0x1  }
0x101: {  	_ =	strace @p1 $0x9000004C;
	p1 =	sne.s32 s20, $0x0;
	s20 =	sadd.s32 $0x1, s20  }
0x102: {  	s1 =	sand.u32 @!p0 $0x1, s16;
	s2 =	simm.s32 @!p1 $0x0;
	p1 =	sne.s32 s20, $0x10  }
.Ltmp22:
0x103: {  	s1 =	sadd.s32 @!p0 $0x3, s1;
	_ =	strace @!p0 $0x8000004D;
	(pc) =	sbr.rel @p1 .LBB2_2-.Ltmp22, $4  }
.Ltmp23:
0x104: {  	_ =	swait.ge @!p0 [sflag:s1], $0x2000;
	(pc) =	sbr.rel @!p1 .LBB2_34-.Ltmp23, $4  }
0x105: {  	[sflag:s1] =	ssyncset.done @!p0 $0x0  }
0x106: {  	s17 =	sadd.s32 s0, s17;
	[sflag:s1] =	ssyncadd.s32 @!p0 $0xFFFFE000  }
0x107: {  	s18 =	sadd.s32 s0, s18;
	s16 =	sadd.s32 s2, s16;
	_ =	strace @!p0 $0x9000004D  }
0x108: {  	_ = 	snop  }
.LBB2_11:
.Ltmp24:
0x109: {  	(pc) =	sbr.rel .LBB2_15-.Ltmp24, $2  }
0x10a: {  	_ =	sdelay $0x2  }
0x10b: {  	s29 =	simm.s32 $0x80  }
.LBB2_20:
.Ltmp25:
0x10c: {  	(pc) =	sbr.rel .LBB2_24-.Ltmp25, $2  }
0x10d: {  	_ =	sdelay $0x2  }
0x10e: {  	s29 =	simm.s32 $0x80  }
.LBB2_29:
.Ltmp26:
0x10f: {  	(pc) =	sbr.rel .LBB2_33-.Ltmp26, $2  }
0x110: {  	_ =	sdelay $0x2  }
0x111: {  	s29 =	simm.s32 $0x80  }
.LBB2_8:
.Ltmp27:
0x112: {  	(pc) =	sbr.rel .LBB2_10-.Ltmp27, $2  }
0x113: {  	_ =	sdelay $0x2  }
0x114: {  	s31 =	simm.s32 $0x80  }
.LBB2_13:
.Ltmp28:
0x115: {  	(pc) =	sbr.rel .LBB2_15-.Ltmp28, $2  }
0x116: {  	_ =	sdelay $0x2  }
0x117: {  	s29 =	simm.s32 $0x80  }
.LBB2_17:
.Ltmp29:
0x118: {  	(pc) =	sbr.rel .LBB2_19-.Ltmp29, $2  }
0x119: {  	_ =	sdelay $0x2  }
0x11a: {  	s31 =	simm.s32 $0x80  }
.LBB2_22:
.Ltmp30:
0x11b: {  	(pc) =	sbr.rel .LBB2_24-.Ltmp30, $2  }
0x11c: {  	_ =	sdelay $0x2  }
0x11d: {  	s29 =	simm.s32 $0x80  }
.LBB2_26:
.Ltmp31:
0x11e: {  	(pc) =	sbr.rel .LBB2_28-.Ltmp31, $2  }
0x11f: {  	_ =	sdelay $0x2  }
0x120: {  	s31 =	simm.s32 $0x80  }
.LBB2_31:
.Ltmp32:
0x121: {  	(pc) =	sbr.rel .LBB2_33-.Ltmp32, $2  }
0x122: {  	_ =	sdelay $0x2  }
0x123: {  	s29 =	simm.s32 $0x80  }
.LBB2_35:
0x124: {  	_ =	sfence.sel $0x180000  }
0x125: {  	[bflag:$0x0] =	sbarrier.arrive $0xFFFF  }
0x126: {  	_ =	strace $0x90000047  }
0x127: {  	s0 =	stileid.u32;
	[bflag:$0x2] =	sbarrier.arrive $0xFFFF  }
0x128: {  	p0 =	sne.s32 s0, $0x0;
	s0 =	rddreg [dreg:$0x4]  }
0x129: {  	s0 =	sadd.s32 @!p0 $0x100000, s0  }
0x12a: {  	[sflag:s0] =	ssyncadd.tile.s32 @!p0 $0x1;
	_ =	shalt  }
.Lfunc_end2:
_tile_overlayer_lowered:
.L_overlay_start_2:
0x12b: {  	(tag) =	ssettag $0x2  }
0x12c: {  	s0 =	rddreg [dreg:$0x0];
	s2 =	stileid.u32  }
0x12d: {  	s1 =	rddreg [dreg:$0x1];
	p0 =	sne.s32 s2, $0x0  }
0x12e: {  	s3 =	rddreg [dreg:$0x2];
	[bflag:$0x3] =	sbarrier.arrive $0xFFFF;
	s2 =	simm.s32 @!p0 $0x1C01  }
0x12f: {  	[timem:s3], [sflag:s2] =	dma.local @!p0 [hbm:s0], s1  }
0x130: {  	s0 =	simm.s32 @!p0 $0x1  }
0x131: {  	_ =	swait.ge @!p0 [sflag:s0], s1  }
0x132: {  	s1 =	ssub.s32 @!p0 $0x0, s1;
	[sflag:s0] =	ssyncset.done @!p0 $0x0  }
0x133: {  	[sflag:s0] =	ssyncadd.s32 @!p0 s1  }
0x134: {  	[bflag:$0x3] =	sbarrier.arrive $0xFFFF  }
0x135: {  	_ =	shalt  }

</sc_bundles>
